<compile_context>
chip_gen: v7x
topology: tpu7x:2x2x1
jax: 0.10.2.dev20260603
libtpu: 0.0.44.dev20260713+nightly
codegen_flags: <defaults>
</compile_context>

<pallas_src>
import functools

import jax
import jax.numpy as jnp
from jax import lax
from jax.experimental import pallas as pl
from jax.experimental.pallas import tpu as pltpu
from jax.experimental.pallas import tpu_sc as plsc

RES = 256
DIV = 1.1
L = 16
NC = 2
NS = 16
NW = NC * NS

HALF = (RES - 1) / 2.0
SCALE = HALF / DIV


def _chunk_size(n):
    best = L
    c = L
    while c <= 2800:
        if n % c == 0:
            best = c
        c += L
    return best


def _body(nchunks, n_iter, C, pz_hbm, py_hbm, px_hbm, grid_hbm, out_hbm,
          *refs):
    pts = refs[0:6]
    idx = refs[6:22]
    gat = refs[22:38]
    w = refs[38:44]
    outv = refs[44:46]
    gsem = refs[46:48]
    psem = refs[48]

    wid = lax.axis_index("s") * NC + lax.axis_index("c")
    nvec = C // L

    def stage(chunk, p):
        base = chunk * C
        sl_h = pl.ds(base, C)
        cps = [pltpu.async_copy(pz_hbm.at[sl_h], pts[p * 3 + 0], psem),
               pltpu.async_copy(py_hbm.at[sl_h], pts[p * 3 + 1], psem),
               pltpu.async_copy(px_hbm.at[sl_h], pts[p * 3 + 2], psem)]
        for cp in cps:
            cp.wait()

        def compute_idx(i, _):
            sl = pl.ds(i * L, L)
            pz = pts[p * 3 + 0][sl]
            py = pts[p * 3 + 1][sl]
            px = pts[p * 3 + 2][sl]
            ix = px * SCALE + HALF
            iy = py * SCALE + HALF
            iz = pz * SCALE + HALF
            xi = ix.astype(jnp.int32)
            yi = iy.astype(jnp.int32)
            zi = iz.astype(jnp.int32)
            w[p * 3 + 0][sl] = ix - xi.astype(jnp.float32)
            w[p * 3 + 1][sl] = iy - yi.astype(jnp.float32)
            w[p * 3 + 2][sl] = iz - zi.astype(jnp.float32)
            xj = xi + 1
            yj = yi + 1
            px0 = ((xi >> 7) << 10) + (xi & 127)
            px1 = ((xj >> 7) << 10) + (xj & 127)
            py0 = ((yi >> 3) << 11) + ((yi & 7) << 7)
            py1 = ((yj >> 3) << 11) + ((yj & 7) << 7)
            bz = zi << 16
            b00 = bz + py0 + px0
            b10 = bz + py0 + px1
            b01 = bz + py1 + px0
            b11 = bz + py1 + px1
            idx[p * 8 + 0][sl] = b00
            idx[p * 8 + 1][sl] = b10
            idx[p * 8 + 2][sl] = b01
            idx[p * 8 + 3][sl] = b11
            idx[p * 8 + 4][sl] = b00 + 65536
            idx[p * 8 + 5][sl] = b10 + 65536
            idx[p * 8 + 6][sl] = b01 + 65536
            idx[p * 8 + 7][sl] = b11 + 65536
            return 0

        lax.fori_loop(0, nvec, compute_idx, 0)
        for j in range(8):
            pltpu.async_copy(grid_hbm.at[idx[p * 8 + j]], gat[p * 8 + j],
                             gsem[p])

    def drain_blend(chunk, p):
        for j in range(8):
            pltpu.make_async_copy(grid_hbm.at[idx[p * 8 + j]],
                                  gat[p * 8 + j], gsem[p]).wait()

        def blend(i, _):
            sl = pl.ds(i * L, L)
            wx = w[p * 3 + 0][sl]
            wy = w[p * 3 + 1][sl]
            wz = w[p * 3 + 2][sl]
            c000 = gat[p * 8 + 0][sl]
            c100 = gat[p * 8 + 1][sl]
            c010 = gat[p * 8 + 2][sl]
            c110 = gat[p * 8 + 3][sl]
            c001 = gat[p * 8 + 4][sl]
            c101 = gat[p * 8 + 5][sl]
            c011 = gat[p * 8 + 6][sl]
            c111 = gat[p * 8 + 7][sl]
            c00 = c000 + wx * (c100 - c000)
            c10 = c010 + wx * (c110 - c010)
            c01 = c001 + wx * (c101 - c001)
            c11 = c011 + wx * (c111 - c011)
            c0 = c00 + wy * (c10 - c00)
            c1 = c01 + wy * (c11 - c01)
            outv[p][sl] = c0 + wz * (c1 - c0)
            return 0

        lax.fori_loop(0, nvec, blend, 0)
        pltpu.sync_copy(outv[p], out_hbm.at[pl.ds(chunk * C, C)])

    @pl.when(wid < nchunks)
    def _():
        stage(wid, 0)

    def loop(k2, _):
        c0 = wid + (2 * k2) * NW
        c1 = c0 + NW
        c2 = c1 + NW

        @pl.when(c1 < nchunks)
        def _():
            stage(c1, 1)

        @pl.when(c0 < nchunks)
        def _():
            drain_blend(c0, 0)

        @pl.when(c2 < nchunks)
        def _():
            stage(c2, 0)

        @pl.when(c1 < nchunks)
        def _():
            drain_blend(c1, 1)

        return 0

    lax.fori_loop(0, (n_iter + 1) // 2, loop, 0)


@jax.jit
def kernel(points, phygrid):
    n = points.shape[0]
    C = _chunk_size(n)
    nchunks = n // C
    n_iter = (nchunks + NW - 1) // NW

    mesh = plsc.VectorSubcoreMesh(
        core_axis_name="c", subcore_axis_name="s",
        num_cores=NC, num_subcores=NS)
    run = pl.kernel(
        functools.partial(_body, nchunks, n_iter, C),
        out_type=jax.ShapeDtypeStruct((n,), jnp.float32),
        mesh=mesh,
        compiler_params=pltpu.CompilerParams(needs_layout_passes=False),
        scratch_types=(
            [pltpu.VMEM((C,), jnp.float32) for _ in range(6)]
            + [pltpu.VMEM((C,), jnp.int32) for _ in range(16)]
            + [pltpu.VMEM((C,), jnp.float32) for _ in range(16)]
            + [pltpu.VMEM((C,), jnp.float32) for _ in range(6)]
            + [pltpu.VMEM((C,), jnp.float32) for _ in range(2)]
            + [pltpu.SemaphoreType.DMA for _ in range(3)]
        ),
    )
    grid_lin = (phygrid.reshape(RES, 32, 8, 2, 128)
                .transpose(0, 1, 3, 2, 4).reshape(-1))
    out = run(points[:, 0], points[:, 1], points[:, 2], grid_lin)
    return out.reshape(n, 1)

# --- scband reference (transcript-rebuilt; emitter-appended) ---
"""Pipeline reference for scband-dense-grid-19370302505665 (READ-ONLY COPY).

The authoritative reference and input builder live on the scoring server;
editing this copy changes nothing except your own understanding.
"""

import jax, jax.numpy as jnp
import numpy as np

RES = 256
DIVIDE_FACTOR = 1.1
FILL_DATA = 0.01
NUM_POINTS = 1000000


def setup_inputs(seed: int = 0) -> dict:
    key = jax.random.key(seed)
    k1 = jax.random.fold_in(key, 1)
    points = jax.random.uniform(k1, (NUM_POINTS, 3), dtype=jnp.float32)
    phygrid = jnp.full((1, 1, RES, RES, RES), FILL_DATA, dtype=jnp.float32)
    return {"points": points, "phygrid": phygrid}


def _grid_sample_3d_align_corners(grid, pts):
    # grid: [D, H, W]; pts: [N, 3] with (gx, gy, gz) in normalized [-1, 1] coords.
    # Matches torch.nn.functional.grid_sample(mode='bilinear', align_corners=True,
    # padding_mode='zeros') for 5D input with grid shape [1,1,1,N,3].
    D, H, W = grid.shape
    gridf = grid.reshape(-1)
    gx = pts[:, 0]
    gy = pts[:, 1]
    gz = pts[:, 2]
    # align_corners=True unnormalization
    ix = (gx + 1.0) * (W - 1) / 2.0
    iy = (gy + 1.0) * (H - 1) / 2.0
    iz = (gz + 1.0) * (D - 1) / 2.0
    x0 = jnp.floor(ix)
    y0 = jnp.floor(iy)
    z0 = jnp.floor(iz)
    x1 = x0 + 1.0
    y1 = y0 + 1.0
    z1 = z0 + 1.0
    wx = ix - x0
    wy = iy - y0
    wz = iz - z0

    def corner(xf, yf, zf):
        xi = xf.astype(jnp.int32)
        yi = yf.astype(jnp.int32)
        zi = zf.astype(jnp.int32)
        valid = (xi >= 0) & (xi < W) & (yi >= 0) & (yi < H) & (zi >= 0) & (zi < D)
        xc = jnp.clip(xi, 0, W - 1)
        yc = jnp.clip(yi, 0, H - 1)
        zc = jnp.clip(zi, 0, D - 1)
        v = jnp.take(gridf, (zc * H + yc) * W + xc)
        return jnp.where(valid, v, 0.0)

    c000 = corner(x0, y0, z0)
    c100 = corner(x1, y0, z0)
    c010 = corner(x0, y1, z0)
    c110 = corner(x1, y1, z0)
    c001 = corner(x0, y0, z1)
    c101 = corner(x1, y0, z1)
    c011 = corner(x0, y1, z1)
    c111 = corner(x1, y1, z1)

    out = (c000 * (1 - wx) * (1 - wy) * (1 - wz)
           + c100 * wx * (1 - wy) * (1 - wz)
           + c010 * (1 - wx) * wy * (1 - wz)
           + c110 * wx * wy * (1 - wz)
           + c001 * (1 - wx) * (1 - wy) * wz
           + c101 * wx * (1 - wy) * wz
           + c011 * (1 - wx) * wy * wz
           + c111 * wx * wy * wz)
    return out


def reference(points, phygrid):
    num_points = points.shape[0]
    pts = points / DIVIDE_FACTOR
    pts = pts[:, jnp.array([2, 1, 0])]
    grid = phygrid[0, 0]  # [D, H, W]
    sampling_factor = _grid_sample_3d_align_corners(grid, pts)
    return sampling_factor.reshape(num_points, 1)

if __name__ == "__main__":
    import jax
    _d = setup_inputs()
    print(jax.jit(kernel)(*tuple(_d.values())))

</pallas_src>

<mosaic_0001>
#map = affine_map<(d0, d1) -> (0)>
module attributes {stable_mosaic.version = 14 : i64} {
  func.func @_body(%arg0: i32, %arg1: i32, %arg2: memref<1000000xf32, #tpu.memory_space<hbm>>, %arg3: memref<1000000xf32, #tpu.memory_space<hbm>>, %arg4: memref<1000000xf32, #tpu.memory_space<hbm>>, %arg5: memref<16777216xf32, #tpu.memory_space<hbm>>, %arg6: memref<1000000xf32, #tpu.memory_space<hbm>>, %arg7: memref<2000xf32, #tpu.memory_space<vmem>>, %arg8: memref<2000xf32, #tpu.memory_space<vmem>>, %arg9: memref<2000xf32, #tpu.memory_space<vmem>>, %arg10: memref<2000xf32, #tpu.memory_space<vmem>>, %arg11: memref<2000xf32, #tpu.memory_space<vmem>>, %arg12: memref<2000xf32, #tpu.memory_space<vmem>>, %arg13: memref<2000xi32, #tpu.memory_space<vmem>>, %arg14: memref<2000xi32, #tpu.memory_space<vmem>>, %arg15: memref<2000xi32, #tpu.memory_space<vmem>>, %arg16: memref<2000xi32, #tpu.memory_space<vmem>>, %arg17: memref<2000xi32, #tpu.memory_space<vmem>>, %arg18: memref<2000xi32, #tpu.memory_space<vmem>>, %arg19: memref<2000xi32, #tpu.memory_space<vmem>>, %arg20: memref<2000xi32, #tpu.memory_space<vmem>>, %arg21: memref<2000xi32, #tpu.memory_space<vmem>>, %arg22: memref<2000xi32, #tpu.memory_space<vmem>>, %arg23: memref<2000xi32, #tpu.memory_space<vmem>>, %arg24: memref<2000xi32, #tpu.memory_space<vmem>>, %arg25: memref<2000xi32, #tpu.memory_space<vmem>>, %arg26: memref<2000xi32, #tpu.memory_space<vmem>>, %arg27: memref<2000xi32, #tpu.memory_space<vmem>>, %arg28: memref<2000xi32, #tpu.memory_space<vmem>>, %arg29: memref<2000xf32, #tpu.memory_space<vmem>>, %arg30: memref<2000xf32, #tpu.memory_space<vmem>>, %arg31: memref<2000xf32, #tpu.memory_space<vmem>>, %arg32: memref<2000xf32, #tpu.memory_space<vmem>>, %arg33: memref<2000xf32, #tpu.memory_space<vmem>>, %arg34: memref<2000xf32, #tpu.memory_space<vmem>>, %arg35: memref<2000xf32, #tpu.memory_space<vmem>>, %arg36: memref<2000xf32, #tpu.memory_space<vmem>>, %arg37: memref<2000xf32, #tpu.memory_space<vmem>>, %arg38: memref<2000xf32, #tpu.memory_space<vmem>>, %arg39: memref<2000xf32, #tpu.memory_space<vmem>>, %arg40: memref<2000xf32, #tpu.memory_space<vmem>>, %arg41: memref<2000xf32, #tpu.memory_space<vmem>>, %arg42: memref<2000xf32, #tpu.memory_space<vmem>>, %arg43: memref<2000xf32, #tpu.memory_space<vmem>>, %arg44: memref<2000xf32, #tpu.memory_space<vmem>>, %arg45: memref<2000xf32, #tpu.memory_space<vmem>>, %arg46: memref<2000xf32, #tpu.memory_space<vmem>>, %arg47: memref<2000xf32, #tpu.memory_space<vmem>>, %arg48: memref<2000xf32, #tpu.memory_space<vmem>>, %arg49: memref<2000xf32, #tpu.memory_space<vmem>>, %arg50: memref<2000xf32, #tpu.memory_space<vmem>>, %arg51: memref<2000xf32, #tpu.memory_space<vmem>>, %arg52: memref<2000xf32, #tpu.memory_space<vmem>>, %arg53: memref<!tpu.dma_semaphore, #tpu.memory_space<semaphore_mem>>, %arg54: memref<!tpu.dma_semaphore, #tpu.memory_space<semaphore_mem>>, %arg55: memref<!tpu.dma_semaphore, #tpu.memory_space<semaphore_mem>>) attributes {dimension_semantics = [#tpu.dimension_semantics<core_parallel>, #tpu.dimension_semantics<subcore_parallel>], iteration_bounds = array<i64: 2, 16>, scalar_prefetch = 0 : i64, scratch_operands = 49 : i64, tpu.core_type = #tpu.core_type<sc_vector_subcore>, window_params = [{transform_indices = #map}, {transform_indices = #map}, {transform_indices = #map}, {transform_indices = #map}, {transform_indices = #map}]} {
    %mul3A = arith.constant 2 : i32
    %mul3A_0 = arith.muli %arg1, %mul3A : i32
    %add3A = arith.addi %mul3A_0, %arg0 : i32
    %lt3A = arith.constant 500 : i32
    %lt3A_1 = arith.cmpi slt, %add3A, %lt3A : i32
    %convert_element_type3A = arith.extui %lt3A_1 : i1 to i32
    %cond3A = arith.constant 0 : i32
    %cond3A_2 = arith.cmpi ne, %convert_element_type3A, %cond3A : i32
    scf.if %cond3A_2 {
      %mul3A_9 = arith.constant 2000 : i32
      %mul3A_10 = arith.muli %add3A, %mul3A_9 : i32
      %dma_start3A = tpu.memref_slice %arg2[%mul3A_10] : memref<1000000xf32, #tpu.memory_space<hbm>> -> memref<2000xf32, #tpu.memory_space<hbm>>
      %dma_start3A_11 = tpu.memref_slice %arg2[%mul3A_10] : memref<1000000xf32, #tpu.memory_space<hbm>> -> memref<2000xf32, #tpu.memory_space<hbm>>
      tpu.enqueue_dma source(%dma_start3A_11 : memref<2000xf32, #tpu.memory_space<hbm>>) target(%arg7 : memref<2000xf32, #tpu.memory_space<vmem>>) target_semaphore(%arg55 : memref<!tpu.dma_semaphore, #tpu.memory_space<semaphore_mem>>)
      %dma_start3A_12 = tpu.memref_slice %arg3[%mul3A_10] : memref<1000000xf32, #tpu.memory_space<hbm>> -> memref<2000xf32, #tpu.memory_space<hbm>>
      %dma_start3A_13 = tpu.memref_slice %arg3[%mul3A_10] : memref<1000000xf32, #tpu.memory_space<hbm>> -> memref<2000xf32, #tpu.memory_space<hbm>>
      tpu.enqueue_dma source(%dma_start3A_13 : memref<2000xf32, #tpu.memory_space<hbm>>) target(%arg8 : memref<2000xf32, #tpu.memory_space<vmem>>) target_semaphore(%arg55 : memref<!tpu.dma_semaphore, #tpu.memory_space<semaphore_mem>>)
      %dma_start3A_14 = tpu.memref_slice %arg4[%mul3A_10] : memref<1000000xf32, #tpu.memory_space<hbm>> -> memref<2000xf32, #tpu.memory_space<hbm>>
      %dma_start3A_15 = tpu.memref_slice %arg4[%mul3A_10] : memref<1000000xf32, #tpu.memory_space<hbm>> -> memref<2000xf32, #tpu.memory_space<hbm>>
      tpu.enqueue_dma source(%dma_start3A_15 : memref<2000xf32, #tpu.memory_space<hbm>>) target(%arg9 : memref<2000xf32, #tpu.memory_space<vmem>>) target_semaphore(%arg55 : memref<!tpu.dma_semaphore, #tpu.memory_space<semaphore_mem>>)
      %dma_wait3A = tpu.memref_slice %arg2[%mul3A_10] : memref<1000000xf32, #tpu.memory_space<hbm>> -> memref<2000xf32, #tpu.memory_space<hbm>>
      %dma_wait3A_16 = tpu.memref_slice %arg2[%mul3A_10] : memref<1000000xf32, #tpu.memory_space<hbm>> -> memref<2000xf32, #tpu.memory_space<hbm>>
      tpu.wait_dma2 semaphore(%arg55 : memref<!tpu.dma_semaphore, #tpu.memory_space<semaphore_mem>>) src(%dma_wait3A_16 : memref<2000xf32, #tpu.memory_space<hbm>>) dst(%arg7 : memref<2000xf32, #tpu.memory_space<vmem>>)
      %dma_wait3A_17 = tpu.memref_slice %arg3[%mul3A_10] : memref<1000000xf32, #tpu.memory_space<hbm>> -> memref<2000xf32, #tpu.memory_space<hbm>>
      %dma_wait3A_18 = tpu.memref_slice %arg3[%mul3A_10] : memref<1000000xf32, #tpu.memory_space<hbm>> -> memref<2000xf32, #tpu.memory_space<hbm>>
      tpu.wait_dma2 semaphore(%arg55 : memref<!tpu.dma_semaphore, #tpu.memory_space<semaphore_mem>>) src(%dma_wait3A_18 : memref<2000xf32, #tpu.memory_space<hbm>>) dst(%arg8 : memref<2000xf32, #tpu.memory_space<vmem>>)
      %dma_wait3A_19 = tpu.memref_slice %arg4[%mul3A_10] : memref<1000000xf32, #tpu.memory_space<hbm>> -> memref<2000xf32, #tpu.memory_space<hbm>>
      %dma_wait3A_20 = tpu.memref_slice %arg4[%mul3A_10] : memref<1000000xf32, #tpu.memory_space<hbm>> -> memref<2000xf32, #tpu.memory_space<hbm>>
      tpu.wait_dma2 semaphore(%arg55 : memref<!tpu.dma_semaphore, #tpu.memory_space<semaphore_mem>>) src(%dma_wait3A_20 : memref<2000xf32, #tpu.memory_space<hbm>>) dst(%arg9 : memref<2000xf32, #tpu.memory_space<vmem>>)
      %scan3A_21 = arith.constant 0 : i32
      %scan3A_22 = arith.constant 0 : i32
      %scan3A_23 = arith.constant 125 : i32
      %scan3A_24 = arith.addi %scan3A_22, %scan3A_23 : i32
      %scan3A_25 = arith.constant 1 : i32
      %scan3A_26 = scf.for %scan3A_44 = %scan3A_22 to %scan3A_24 step %scan3A_25 iter_args(%scan3A_45 = %scan3A_21) -> (i32)  : i32 {
        %mul3A_46 = arith.constant 16 : i32
        %mul3A_47 = arith.muli %scan3A_44, %mul3A_46 : i32
        %get3A = arith.index_cast %mul3A_47 : i32 to index
        %get3A_48 = tpu.vector_load %arg7[%get3A] {strides = array<i32>} : memref<2000xf32, #tpu.memory_space<vmem>>, vector<16xf32>,
        %get3A_49 = arith.index_cast %mul3A_47 : i32 to index
        %get3A_50 = tpu.vector_load %arg8[%get3A_49] {strides = array<i32>} : memref<2000xf32, #tpu.memory_space<vmem>>, vector<16xf32>,
        %get3A_51 = arith.index_cast %mul3A_47 : i32 to index
        %get3A_52 = tpu.vector_load %arg9[%get3A_51] {strides = array<i32>} : memref<2000xf32, #tpu.memory_space<vmem>>, vector<16xf32>,
        %mul3A_53 = arith.constant 115.909088 : f32
        %mul3A_54 = vector.broadcast %mul3A_53 : f32 to vector<16xf32>
        %mul3A_55 = arith.mulf %get3A_52, %mul3A_54 : vector<16xf32>
        %add3A_56 = arith.constant 1.275000e+02 : f32
        %add3A_57 = vector.broadcast %add3A_56 : f32 to vector<16xf32>
        %add3A_58 = arith.addf %mul3A_55, %add3A_57 : vector<16xf32>
        %mul3A_59 = arith.constant 115.909088 : f32
        %mul3A_60 = vector.broadcast %mul3A_59 : f32 to vector<16xf32>
        %mul3A_61 = arith.mulf %get3A_50, %mul3A_60 : vector<16xf32>
        %add3A_62 = arith.constant 1.275000e+02 : f32
        %add3A_63 = vector.broadcast %add3A_62 : f32 to vector<16xf32>
        %add3A_64 = arith.addf %mul3A_61, %add3A_63 : vector<16xf32>
        %mul3A_65 = arith.constant 115.909088 : f32
        %mul3A_66 = vector.broadcast %mul3A_65 : f32 to vector<16xf32>
        %mul3A_67 = arith.mulf %get3A_48, %mul3A_66 : vector<16xf32>
        %add3A_68 = arith.constant 1.275000e+02 : f32
        %add3A_69 = vector.broadcast %add3A_68 : f32 to vector<16xf32>
        %add3A_70 = arith.addf %mul3A_67, %add3A_69 : vector<16xf32>
        %convert_element_type3A_71 = arith.fptosi %add3A_58 : vector<16xf32> to vector<16xi32>
        %convert_element_type3A_72 = arith.fptosi %add3A_64 : vector<16xf32> to vector<16xi32>
        %convert_element_type3A_73 = arith.fptosi %add3A_70 : vector<16xf32> to vector<16xi32>
        %convert_element_type3A_74 = arith.sitofp %convert_element_type3A_71 : vector<16xi32> to vector<16xf32>
        %sub3A = arith.subf %add3A_58, %convert_element_type3A_74 : vector<16xf32>
        %swap3A = arith.index_cast %mul3A_47 : i32 to index
        %swap3A_75 = tpu.vector_load %arg45[%swap3A] {strides = array<i32>} : memref<2000xf32, #tpu.memory_space<vmem>>, vector<16xf32>,
        tpu.vector_store %arg45[%swap3A], %sub3A {strides = array<i32>} : memref<2000xf32, #tpu.memory_space<vmem>>, vector<16xf32>,
        %convert_element_type3A_76 = arith.sitofp %convert_element_type3A_72 : vector<16xi32> to vector<16xf32>
        %sub3A_77 = arith.subf %add3A_64, %convert_element_type3A_76 : vector<16xf32>
        %swap3A_78 = arith.index_cast %mul3A_47 : i32 to index
        %swap3A_79 = tpu.vector_load %arg46[%swap3A_78] {strides = array<i32>} : memref<2000xf32, #tpu.memory_space<vmem>>, vector<16xf32>,
        tpu.vector_store %arg46[%swap3A_78], %sub3A_77 {strides = array<i32>} : memref<2000xf32, #tpu.memory_space<vmem>>, vector<16xf32>,
        %convert_element_type3A_80 = arith.sitofp %convert_element_type3A_73 : vector<16xi32> to vector<16xf32>
        %sub3A_81 = arith.subf %add3A_70, %convert_element_type3A_80 : vector<16xf32>
        %swap3A_82 = arith.index_cast %mul3A_47 : i32 to index
        %swap3A_83 = tpu.vector_load %arg47[%swap3A_82] {strides = array<i32>} : memref<2000xf32, #tpu.memory_space<vmem>>, vector<16xf32>,
        tpu.vector_store %arg47[%swap3A_82], %sub3A_81 {strides = array<i32>} : memref<2000xf32, #tpu.memory_space<vmem>>, vector<16xf32>,
        %add3A_84 = arith.constant 1 : i32
        %add3A_85 = vector.broadcast %add3A_84 : i32 to vector<16xi32>
        %add3A_86 = arith.addi %convert_element_type3A_71, %add3A_85 : vector<16xi32>
        %add3A_87 = arith.constant 1 : i32
        %add3A_88 = vector.broadcast %add3A_87 : i32 to vector<16xi32>
        %add3A_89 = arith.addi %convert_element_type3A_72, %add3A_88 : vector<16xi32>
        %shift_right_arithmetic3A = arith.constant 7 : i32
        %shift_right_arithmetic3A_90 = vector.broadcast %shift_right_arithmetic3A : i32 to vector<16xi32>
        %shift_right_arithmetic3A_91 = arith.shrsi %convert_element_type3A_71, %shift_right_arithmetic3A_90 : vector<16xi32>
        %shift_left3A = arith.constant 10 : i32
        %shift_left3A_92 = vector.broadcast %shift_left3A : i32 to vector<16xi32>
        %shift_left3A_93 = arith.shli %shift_right_arithmetic3A_91, %shift_left3A_92 : vector<16xi32>
        %and3A = arith.constant 127 : i32
        %and3A_94 = vector.broadcast %and3A : i32 to vector<16xi32>
        %and3A_95 = arith.andi %convert_element_type3A_71, %and3A_94 : vector<16xi32>
        %add3A_96 = arith.addi %shift_left3A_93, %and3A_95 : vector<16xi32>
        %shift_right_arithmetic3A_97 = arith.constant 7 : i32
        %shift_right_arithmetic3A_98 = vector.broadcast %shift_right_arithmetic3A_97 : i32 to vector<16xi32>
        %shift_right_arithmetic3A_99 = arith.shrsi %add3A_86, %shift_right_arithmetic3A_98 : vector<16xi32>
        %shift_left3A_100 = arith.constant 10 : i32
        %shift_left3A_101 = vector.broadcast %shift_left3A_100 : i32 to vector<16xi32>
        %shift_left3A_102 = arith.shli %shift_right_arithmetic3A_99, %shift_left3A_101 : vector<16xi32>
        %and3A_103 = arith.constant 127 : i32
        %and3A_104 = vector.broadcast %and3A_103 : i32 to vector<16xi32>
        %and3A_105 = arith.andi %add3A_86, %and3A_104 : vector<16xi32>
        %add3A_106 = arith.addi %shift_left3A_102, %and3A_105 : vector<16xi32>
        %shift_right_arithmetic3A_107 = arith.constant 3 : i32
        %shift_right_arithmetic3A_108 = vector.broadcast %shift_right_arithmetic3A_107 : i32 to vector<16xi32>
        %shift_right_arithmetic3A_109 = arith.shrsi %convert_element_type3A_72, %shift_right_arithmetic3A_108 : vector<16xi32>
        %shift_left3A_110 = arith.constant 11 : i32
        %shift_left3A_111 = vector.broadcast %shift_left3A_110 : i32 to vector<16xi32>
        %shift_left3A_112 = arith.shli %shift_right_arithmetic3A_109, %shift_left3A_111 : vector<16xi32>
        %and3A_113 = arith.constant 7 : i32
        %and3A_114 = vector.broadcast %and3A_113 : i32 to vector<16xi32>
        %and3A_115 = arith.andi %convert_element_type3A_72, %and3A_114 : vector<16xi32>
        %shift_left3A_116 = arith.constant 7 : i32
        %shift_left3A_117 = vector.broadcast %shift_left3A_116 : i32 to vector<16xi32>
        %shift_left3A_118 = arith.shli %and3A_115, %shift_left3A_117 : vector<16xi32>
        %add3A_119 = arith.addi %shift_left3A_112, %shift_left3A_118 : vector<16xi32>
        %shift_right_arithmetic3A_120 = arith.constant 3 : i32
        %shift_right_arithmetic3A_121 = vector.broadcast %shift_right_arithmetic3A_120 : i32 to vector<16xi32>
        %shift_right_arithmetic3A_122 = arith.shrsi %add3A_89, %shift_right_arithmetic3A_121 : vector<16xi32>
        %shift_left3A_123 = arith.constant 11 : i32
        %shift_left3A_124 = vector.broadcast %shift_left3A_123 : i32 to vector<16xi32>
        %shift_left3A_125 = arith.shli %shift_right_arithmetic3A_122, %shift_left3A_124 : vector<16xi32>
        %and3A_126 = arith.constant 7 : i32
        %and3A_127 = vector.broadcast %and3A_126 : i32 to vector<16xi32>
        %and3A_128 = arith.andi %add3A_89, %and3A_127 : vector<16xi32>
        %shift_left3A_129 = arith.constant 7 : i32
        %shift_left3A_130 = vector.broadcast %shift_left3A_129 : i32 to vector<16xi32>
        %shift_left3A_131 = arith.shli %and3A_128, %shift_left3A_130 : vector<16xi32>
        %add3A_132 = arith.addi %shift_left3A_125, %shift_left3A_131 : vector<16xi32>
        %shift_left3A_133 = arith.constant 16 : i32
        %shift_left3A_134 = vector.broadcast %shift_left3A_133 : i32 to vector<16xi32>
        %shift_left3A_135 = arith.shli %convert_element_type3A_73, %shift_left3A_134 : vector<16xi32>
        %add3A_136 = arith.addi %shift_left3A_135, %add3A_119 : vector<16xi32>
        %add3A_137 = arith.addi %add3A_136, %add3A_96 : vector<16xi32>
        %add3A_138 = arith.addi %shift_left3A_135, %add3A_119 : vector<16xi32>
        %add3A_139 = arith.addi %add3A_138, %add3A_106 : vector<16xi32>
        %add3A_140 = arith.addi %shift_left3A_135, %add3A_132 : vector<16xi32>
        %add3A_141 = arith.addi %add3A_140, %add3A_96 : vector<16xi32>
        %add3A_142 = arith.addi %shift_left3A_135, %add3A_132 : vector<16xi32>
        %add3A_143 = arith.addi %add3A_142, %add3A_106 : vector<16xi32>
        %swap3A_144 = arith.index_cast %mul3A_47 : i32 to index
        %swap3A_145 = tpu.vector_load %arg13[%swap3A_144] {strides = array<i32>} : memref<2000xi32, #tpu.memory_space<vmem>>, vector<16xi32>,
        tpu.vector_store %arg13[%swap3A_144], %add3A_137 {strides = array<i32>} : memref<2000xi32, #tpu.memory_space<vmem>>, vector<16xi32>,
        %swap3A_146 = arith.index_cast %mul3A_47 : i32 to index
        %swap3A_147 = tpu.vector_load %arg14[%swap3A_146] {strides = array<i32>} : memref<2000xi32, #tpu.memory_space<vmem>>, vector<16xi32>,
        tpu.vector_store %arg14[%swap3A_146], %add3A_139 {strides = array<i32>} : memref<2000xi32, #tpu.memory_space<vmem>>, vector<16xi32>,
        %swap3A_148 = arith.index_cast %mul3A_47 : i32 to index
        %swap3A_149 = tpu.vector_load %arg15[%swap3A_148] {strides = array<i32>} : memref<2000xi32, #tpu.memory_space<vmem>>, vector<16xi32>,
        tpu.vector_store %arg15[%swap3A_148], %add3A_141 {strides = array<i32>} : memref<2000xi32, #tpu.memory_space<vmem>>, vector<16xi32>,
        %swap3A_150 = arith.index_cast %mul3A_47 : i32 to index
        %swap3A_151 = tpu.vector_load %arg16[%swap3A_150] {strides = array<i32>} : memref<2000xi32, #tpu.memory_space<vmem>>, vector<16xi32>,
        tpu.vector_store %arg16[%swap3A_150], %add3A_143 {strides = array<i32>} : memref<2000xi32, #tpu.memory_space<vmem>>, vector<16xi32>,
        %add3A_152 = arith.constant 65536 : i32
        %add3A_153 = vector.broadcast %add3A_152 : i32 to vector<16xi32>
        %add3A_154 = arith.addi %add3A_137, %add3A_153 : vector<16xi32>
        %swap3A_155 = arith.index_cast %mul3A_47 : i32 to index
        %swap3A_156 = tpu.vector_load %arg17[%swap3A_155] {strides = array<i32>} : memref<2000xi32, #tpu.memory_space<vmem>>, vector<16xi32>,
        tpu.vector_store %arg17[%swap3A_155], %add3A_154 {strides = array<i32>} : memref<2000xi32, #tpu.memory_space<vmem>>, vector<16xi32>,
        %add3A_157 = arith.constant 65536 : i32
        %add3A_158 = vector.broadcast %add3A_157 : i32 to vector<16xi32>
        %add3A_159 = arith.addi %add3A_139, %add3A_158 : vector<16xi32>
        %swap3A_160 = arith.index_cast %mul3A_47 : i32 to index
        %swap3A_161 = tpu.vector_load %arg18[%swap3A_160] {strides = array<i32>} : memref<2000xi32, #tpu.memory_space<vmem>>, vector<16xi32>,
        tpu.vector_store %arg18[%swap3A_160], %add3A_159 {strides = array<i32>} : memref<2000xi32, #tpu.memory_space<vmem>>, vector<16xi32>,
        %add3A_162 = arith.constant 65536 : i32
        %add3A_163 = vector.broadcast %add3A_162 : i32 to vector<16xi32>
        %add3A_164 = arith.addi %add3A_141, %add3A_163 : vector<16xi32>
        %swap3A_165 = arith.index_cast %mul3A_47 : i32 to index
        %swap3A_166 = tpu.vector_load %arg19[%swap3A_165] {strides = array<i32>} : memref<2000xi32, #tpu.memory_space<vmem>>, vector<16xi32>,
        tpu.vector_store %arg19[%swap3A_165], %add3A_164 {strides = array<i32>} : memref<2000xi32, #tpu.memory_space<vmem>>, vector<16xi32>,
        %add3A_167 = arith.constant 65536 : i32
        %add3A_168 = vector.broadcast %add3A_167 : i32 to vector<16xi32>
        %add3A_169 = arith.addi %add3A_143, %add3A_168 : vector<16xi32>
        %swap3A_170 = arith.index_cast %mul3A_47 : i32 to index
        %swap3A_171 = tpu.vector_load %arg20[%swap3A_170] {strides = array<i32>} : memref<2000xi32, #tpu.memory_space<vmem>>, vector<16xi32>,
        tpu.vector_store %arg20[%swap3A_170], %add3A_169 {strides = array<i32>} : memref<2000xi32, #tpu.memory_space<vmem>>, vector<16xi32>,
        %scan3A_172 = arith.constant 0 : i32
        scf.yield %scan3A_172 : i32
      }
      %scan3A_27 = arith.constant 125 : i32
      %dma_start3A_28 = arith.constant 0 : i32
      %dma_start3A_29 = tpu.memref_slice %arg5[%dma_start3A_28] : memref<16777216xf32, #tpu.memory_space<hbm>> -> memref<16777216xf32, #tpu.memory_space<hbm>>
      tpu.enqueue_indirect_dma source(%dma_start3A_29 : memref<16777216xf32, #tpu.memory_space<hbm>>) target(%arg29 : memref<2000xf32, #tpu.memory_space<vmem>>) offsets(%arg13 : memref<2000xi32, #tpu.memory_space<vmem>>) semaphore(%arg53 : memref<!tpu.dma_semaphore, #tpu.memory_space<semaphore_mem>>)
      %dma_start3A_30 = arith.constant 0 : i32
      %dma_start3A_31 = tpu.memref_slice %arg5[%dma_start3A_30] : memref<16777216xf32, #tpu.memory_space<hbm>> -> memref<16777216xf32, #tpu.memory_space<hbm>>
      tpu.enqueue_indirect_dma source(%dma_start3A_31 : memref<16777216xf32, #tpu.memory_space<hbm>>) target(%arg30 : memref<2000xf32, #tpu.memory_space<vmem>>) offsets(%arg14 : memref<2000xi32, #tpu.memory_space<vmem>>) semaphore(%arg53 : memref<!tpu.dma_semaphore, #tpu.memory_space<semaphore_mem>>)
      %dma_start3A_32 = arith.constant 0 : i32
      %dma_start3A_33 = tpu.memref_slice %arg5[%dma_start3A_32] : memref<16777216xf32, #tpu.memory_space<hbm>> -> memref<16777216xf32, #tpu.memory_space<hbm>>
      tpu.enqueue_indirect_dma source(%dma_start3A_33 : memref<16777216xf32, #tpu.memory_space<hbm>>) target(%arg31 : memref<2000xf32, #tpu.memory_space<vmem>>) offsets(%arg15 : memref<2000xi32, #tpu.memory_space<vmem>>) semaphore(%arg53 : memref<!tpu.dma_semaphore, #tpu.memory_space<semaphore_mem>>)
      %dma_start3A_34 = arith.constant 0 : i32
      %dma_start3A_35 = tpu.memref_slice %arg5[%dma_start3A_34] : memref<16777216xf32, #tpu.memory_space<hbm>> -> memref<16777216xf32, #tpu.memory_space<hbm>>
      tpu.enqueue_indirect_dma source(%dma_start3A_35 : memref<16777216xf32, #tpu.memory_space<hbm>>) target(%arg32 : memref<2000xf32, #tpu.memory_space<vmem>>) offsets(%arg16 : memref<2000xi32, #tpu.memory_space<vmem>>) semaphore(%arg53 : memref<!tpu.dma_semaphore, #tpu.memory_space<semaphore_mem>>)
      %dma_start3A_36 = arith.constant 0 : i32
      %dma_start3A_37 = tpu.memref_slice %arg5[%dma_start3A_36] : memref<16777216xf32, #tpu.memory_space<hbm>> -> memref<16777216xf32, #tpu.memory_space<hbm>>
      tpu.enqueue_indirect_dma source(%dma_start3A_37 : memref<16777216xf32, #tpu.memory_space<hbm>>) target(%arg33 : memref<2000xf32, #tpu.memory_space<vmem>>) offsets(%arg17 : memref<2000xi32, #tpu.memory_space<vmem>>) semaphore(%arg53 : memref<!tpu.dma_semaphore, #tpu.memory_space<semaphore_mem>>)
      %dma_start3A_38 = arith.constant 0 : i32
      %dma_start3A_39 = tpu.memref_slice %arg5[%dma_start3A_38] : memref<16777216xf32, #tpu.memory_space<hbm>> -> memref<16777216xf32, #tpu.memory_space<hbm>>
      tpu.enqueue_indirect_dma source(%dma_start3A_39 : memref<16777216xf32, #tpu.memory_space<hbm>>) target(%arg34 : memref<2000xf32, #tpu.memory_space<vmem>>) offsets(%arg18 : memref<2000xi32, #tpu.memory_space<vmem>>) semaphore(%arg53 : memref<!tpu.dma_semaphore, #tpu.memory_space<semaphore_mem>>)
      %dma_start3A_40 = arith.constant 0 : i32
      %dma_start3A_41 = tpu.memref_slice %arg5[%dma_start3A_40] : memref<16777216xf32, #tpu.memory_space<hbm>> -> memref<16777216xf32, #tpu.memory_space<hbm>>
      tpu.enqueue_indirect_dma source(%dma_start3A_41 : memref<16777216xf32, #tpu.memory_space<hbm>>) target(%arg35 : memref<2000xf32, #tpu.memory_space<vmem>>) offsets(%arg19 : memref<2000xi32, #tpu.memory_space<vmem>>) semaphore(%arg53 : memref<!tpu.dma_semaphore, #tpu.memory_space<semaphore_mem>>)
      %dma_start3A_42 = arith.constant 0 : i32
      %dma_start3A_43 = tpu.memref_slice %arg5[%dma_start3A_42] : memref<16777216xf32, #tpu.memory_space<hbm>> -> memref<16777216xf32, #tpu.memory_space<hbm>>
      tpu.enqueue_indirect_dma source(%dma_start3A_43 : memref<16777216xf32, #tpu.memory_space<hbm>>) target(%arg36 : memref<2000xf32, #tpu.memory_space<vmem>>) offsets(%arg20 : memref<2000xi32, #tpu.memory_space<vmem>>) semaphore(%arg53 : memref<!tpu.dma_semaphore, #tpu.memory_space<semaphore_mem>>)
    } else {
    }
    %scan3A = arith.constant 0 : i32
    %scan3A_3 = arith.constant 0 : i32
    %scan3A_4 = arith.constant 8 : i32
    %scan3A_5 = arith.addi %scan3A_3, %scan3A_4 : i32
    %scan3A_6 = arith.constant 1 : i32
    %scan3A_7 = scf.for %scan3A_9 = %scan3A_3 to %scan3A_5 step %scan3A_6 iter_args(%scan3A_10 = %scan3A) -> (i32)  : i32 {
      %mul3A_11 = arith.constant 2 : i32
      %mul3A_12 = arith.muli %mul3A_11, %scan3A_9 : i32
      %mul3A_13 = arith.constant 32 : i32
      %mul3A_14 = arith.muli %mul3A_12, %mul3A_13 : i32
      %add3A_15 = arith.addi %add3A, %mul3A_14 : i32
      %add3A_16 = arith.constant 32 : i32
      %add3A_17 = arith.addi %add3A_15, %add3A_16 : i32
      %add3A_18 = arith.constant 32 : i32
      %add3A_19 = arith.addi %add3A_17, %add3A_18 : i32
      %lt3A_20 = arith.constant 500 : i32
      %lt3A_21 = arith.cmpi slt, %add3A_17, %lt3A_20 : i32
      %convert_element_type3A_22 = arith.extui %lt3A_21 : i1 to i32
      %cond3A_23 = arith.constant 0 : i32
      %cond3A_24 = arith.cmpi ne, %convert_element_type3A_22, %cond3A_23 : i32
      scf.if %cond3A_24 {
        %mul3A_41 = arith.constant 2000 : i32
        %mul3A_42 = arith.muli %add3A_17, %mul3A_41 : i32
        %dma_start3A = tpu.memref_slice %arg2[%mul3A_42] : memref<1000000xf32, #tpu.memory_space<hbm>> -> memref<2000xf32, #tpu.memory_space<hbm>>
        %dma_start3A_43 = tpu.memref_slice %arg2[%mul3A_42] : memref<1000000xf32, #tpu.memory_space<hbm>> -> memref<2000xf32, #tpu.memory_space<hbm>>
        tpu.enqueue_dma source(%dma_start3A_43 : memref<2000xf32, #tpu.memory_space<hbm>>) target(%arg10 : memref<2000xf32, #tpu.memory_space<vmem>>) target_semaphore(%arg55 : memref<!tpu.dma_semaphore, #tpu.memory_space<semaphore_mem>>)
        %dma_start3A_44 = tpu.memref_slice %arg3[%mul3A_42] : memref<1000000xf32, #tpu.memory_space<hbm>> -> memref<2000xf32, #tpu.memory_space<hbm>>
        %dma_start3A_45 = tpu.memref_slice %arg3[%mul3A_42] : memref<1000000xf32, #tpu.memory_space<hbm>> -> memref<2000xf32, #tpu.memory_space<hbm>>
        tpu.enqueue_dma source(%dma_start3A_45 : memref<2000xf32, #tpu.memory_space<hbm>>) target(%arg11 : memref<2000xf32, #tpu.memory_space<vmem>>) target_semaphore(%arg55 : memref<!tpu.dma_semaphore, #tpu.memory_space<semaphore_mem>>)
        %dma_start3A_46 = tpu.memref_slice %arg4[%mul3A_42] : memref<1000000xf32, #tpu.memory_space<hbm>> -> memref<2000xf32, #tpu.memory_space<hbm>>
        %dma_start3A_47 = tpu.memref_slice %arg4[%mul3A_42] : memref<1000000xf32, #tpu.memory_space<hbm>> -> memref<2000xf32, #tpu.memory_space<hbm>>
        tpu.enqueue_dma source(%dma_start3A_47 : memref<2000xf32, #tpu.memory_space<hbm>>) target(%arg12 : memref<2000xf32, #tpu.memory_space<vmem>>) target_semaphore(%arg55 : memref<!tpu.dma_semaphore, #tpu.memory_space<semaphore_mem>>)
        %dma_wait3A = tpu.memref_slice %arg2[%mul3A_42] : memref<1000000xf32, #tpu.memory_space<hbm>> -> memref<2000xf32, #tpu.memory_space<hbm>>
        %dma_wait3A_48 = tpu.memref_slice %arg2[%mul3A_42] : memref<1000000xf32, #tpu.memory_space<hbm>> -> memref<2000xf32, #tpu.memory_space<hbm>>
        tpu.wait_dma2 semaphore(%arg55 : memref<!tpu.dma_semaphore, #tpu.memory_space<semaphore_mem>>) src(%dma_wait3A_48 : memref<2000xf32, #tpu.memory_space<hbm>>) dst(%arg10 : memref<2000xf32, #tpu.memory_space<vmem>>)
        %dma_wait3A_49 = tpu.memref_slice %arg3[%mul3A_42] : memref<1000000xf32, #tpu.memory_space<hbm>> -> memref<2000xf32, #tpu.memory_space<hbm>>
        %dma_wait3A_50 = tpu.memref_slice %arg3[%mul3A_42] : memref<1000000xf32, #tpu.memory_space<hbm>> -> memref<2000xf32, #tpu.memory_space<hbm>>
        tpu.wait_dma2 semaphore(%arg55 : memref<!tpu.dma_semaphore, #tpu.memory_space<semaphore_mem>>) src(%dma_wait3A_50 : memref<2000xf32, #tpu.memory_space<hbm>>) dst(%arg11 : memref<2000xf32, #tpu.memory_space<vmem>>)
        %dma_wait3A_51 = tpu.memref_slice %arg4[%mul3A_42] : memref<1000000xf32, #tpu.memory_space<hbm>> -> memref<2000xf32, #tpu.memory_space<hbm>>
        %dma_wait3A_52 = tpu.memref_slice %arg4[%mul3A_42] : memref<1000000xf32, #tpu.memory_space<hbm>> -> memref<2000xf32, #tpu.memory_space<hbm>>
        tpu.wait_dma2 semaphore(%arg55 : memref<!tpu.dma_semaphore, #tpu.memory_space<semaphore_mem>>) src(%dma_wait3A_52 : memref<2000xf32, #tpu.memory_space<hbm>>) dst(%arg12 : memref<2000xf32, #tpu.memory_space<vmem>>)
        %scan3A_53 = arith.constant 0 : i32
        %scan3A_54 = arith.constant 0 : i32
        %scan3A_55 = arith.constant 125 : i32
        %scan3A_56 = arith.addi %scan3A_54, %scan3A_55 : i32
        %scan3A_57 = arith.constant 1 : i32
        %scan3A_58 = scf.for %scan3A_76 = %scan3A_54 to %scan3A_56 step %scan3A_57 iter_args(%scan3A_77 = %scan3A_53) -> (i32)  : i32 {
          %mul3A_78 = arith.constant 16 : i32
          %mul3A_79 = arith.muli %scan3A_76, %mul3A_78 : i32
          %get3A = arith.index_cast %mul3A_79 : i32 to index
          %get3A_80 = tpu.vector_load %arg10[%get3A] {strides = array<i32>} : memref<2000xf32, #tpu.memory_space<vmem>>, vector<16xf32>,
          %get3A_81 = arith.index_cast %mul3A_79 : i32 to index
          %get3A_82 = tpu.vector_load %arg11[%get3A_81] {strides = array<i32>} : memref<2000xf32, #tpu.memory_space<vmem>>, vector<16xf32>,
          %get3A_83 = arith.index_cast %mul3A_79 : i32 to index
          %get3A_84 = tpu.vector_load %arg12[%get3A_83] {strides = array<i32>} : memref<2000xf32, #tpu.memory_space<vmem>>, vector<16xf32>,
          %mul3A_85 = arith.constant 115.909088 : f32
          %mul3A_86 = vector.broadcast %mul3A_85 : f32 to vector<16xf32>
          %mul3A_87 = arith.mulf %get3A_84, %mul3A_86 : vector<16xf32>
          %add3A_88 = arith.constant 1.275000e+02 : f32
          %add3A_89 = vector.broadcast %add3A_88 : f32 to vector<16xf32>
          %add3A_90 = arith.addf %mul3A_87, %add3A_89 : vector<16xf32>
          %mul3A_91 = arith.constant 115.909088 : f32
          %mul3A_92 = vector.broadcast %mul3A_91 : f32 to vector<16xf32>
          %mul3A_93 = arith.mulf %get3A_82, %mul3A_92 : vector<16xf32>
          %add3A_94 = arith.constant 1.275000e+02 : f32
          %add3A_95 = vector.broadcast %add3A_94 : f32 to vector<16xf32>
          %add3A_96 = arith.addf %mul3A_93, %add3A_95 : vector<16xf32>
          %mul3A_97 = arith.constant 115.909088 : f32
          %mul3A_98 = vector.broadcast %mul3A_97 : f32 to vector<16xf32>
          %mul3A_99 = arith.mulf %get3A_80, %mul3A_98 : vector<16xf32>
          %add3A_100 = arith.constant 1.275000e+02 : f32
          %add3A_101 = vector.broadcast %add3A_100 : f32 to vector<16xf32>
          %add3A_102 = arith.addf %mul3A_99, %add3A_101 : vector<16xf32>
          %convert_element_type3A_103 = arith.fptosi %add3A_90 : vector<16xf32> to vector<16xi32>
          %convert_element_type3A_104 = arith.fptosi %add3A_96 : vector<16xf32> to vector<16xi32>
          %convert_element_type3A_105 = arith.fptosi %add3A_102 : vector<16xf32> to vector<16xi32>
          %convert_element_type3A_106 = arith.sitofp %convert_element_type3A_103 : vector<16xi32> to vector<16xf32>
          %sub3A = arith.subf %add3A_90, %convert_element_type3A_106 : vector<16xf32>
          %swap3A = arith.index_cast %mul3A_79 : i32 to index
          %swap3A_107 = tpu.vector_load %arg48[%swap3A] {strides = array<i32>} : memref<2000xf32, #tpu.memory_space<vmem>>, vector<16xf32>,
          tpu.vector_store %arg48[%swap3A], %sub3A {strides = array<i32>} : memref<2000xf32, #tpu.memory_space<vmem>>, vector<16xf32>,
          %convert_element_type3A_108 = arith.sitofp %convert_element_type3A_104 : vector<16xi32> to vector<16xf32>
          %sub3A_109 = arith.subf %add3A_96, %convert_element_type3A_108 : vector<16xf32>
          %swap3A_110 = arith.index_cast %mul3A_79 : i32 to index
          %swap3A_111 = tpu.vector_load %arg49[%swap3A_110] {strides = array<i32>} : memref<2000xf32, #tpu.memory_space<vmem>>, vector<16xf32>,
          tpu.vector_store %arg49[%swap3A_110], %sub3A_109 {strides = array<i32>} : memref<2000xf32, #tpu.memory_space<vmem>>, vector<16xf32>,
          %convert_element_type3A_112 = arith.sitofp %convert_element_type3A_105 : vector<16xi32> to vector<16xf32>
          %sub3A_113 = arith.subf %add3A_102, %convert_element_type3A_112 : vector<16xf32>
          %swap3A_114 = arith.index_cast %mul3A_79 : i32 to index
          %swap3A_115 = tpu.vector_load %arg50[%swap3A_114] {strides = array<i32>} : memref<2000xf32, #tpu.memory_space<vmem>>, vector<16xf32>,
          tpu.vector_store %arg50[%swap3A_114], %sub3A_113 {strides = array<i32>} : memref<2000xf32, #tpu.memory_space<vmem>>, vector<16xf32>,
          %add3A_116 = arith.constant 1 : i32
          %add3A_117 = vector.broadcast %add3A_116 : i32 to vector<16xi32>
          %add3A_118 = arith.addi %convert_element_type3A_103, %add3A_117 : vector<16xi32>
          %add3A_119 = arith.constant 1 : i32
          %add3A_120 = vector.broadcast %add3A_119 : i32 to vector<16xi32>
          %add3A_121 = arith.addi %convert_element_type3A_104, %add3A_120 : vector<16xi32>
          %shift_right_arithmetic3A = arith.constant 7 : i32
          %shift_right_arithmetic3A_122 = vector.broadcast %shift_right_arithmetic3A : i32 to vector<16xi32>
          %shift_right_arithmetic3A_123 = arith.shrsi %convert_element_type3A_103, %shift_right_arithmetic3A_122 : vector<16xi32>
          %shift_left3A = arith.constant 10 : i32
          %shift_left3A_124 = vector.broadcast %shift_left3A : i32 to vector<16xi32>
          %shift_left3A_125 = arith.shli %shift_right_arithmetic3A_123, %shift_left3A_124 : vector<16xi32>
          %and3A = arith.constant 127 : i32
          %and3A_126 = vector.broadcast %and3A : i32 to vector<16xi32>
          %and3A_127 = arith.andi %convert_element_type3A_103, %and3A_126 : vector<16xi32>
          %add3A_128 = arith.addi %shift_left3A_125, %and3A_127 : vector<16xi32>
          %shift_right_arithmetic3A_129 = arith.constant 7 : i32
          %shift_right_arithmetic3A_130 = vector.broadcast %shift_right_arithmetic3A_129 : i32 to vector<16xi32>
          %shift_right_arithmetic3A_131 = arith.shrsi %add3A_118, %shift_right_arithmetic3A_130 : vector<16xi32>
          %shift_left3A_132 = arith.constant 10 : i32
          %shift_left3A_133 = vector.broadcast %shift_left3A_132 : i32 to vector<16xi32>
          %shift_left3A_134 = arith.shli %shift_right_arithmetic3A_131, %shift_left3A_133 : vector<16xi32>
          %and3A_135 = arith.constant 127 : i32
          %and3A_136 = vector.broadcast %and3A_135 : i32 to vector<16xi32>
          %and3A_137 = arith.andi %add3A_118, %and3A_136 : vector<16xi32>
          %add3A_138 = arith.addi %shift_left3A_134, %and3A_137 : vector<16xi32>
          %shift_right_arithmetic3A_139 = arith.constant 3 : i32
          %shift_right_arithmetic3A_140 = vector.broadcast %shift_right_arithmetic3A_139 : i32 to vector<16xi32>
          %shift_right_arithmetic3A_141 = arith.shrsi %convert_element_type3A_104, %shift_right_arithmetic3A_140 : vector<16xi32>
          %shift_left3A_142 = arith.constant 11 : i32
          %shift_left3A_143 = vector.broadcast %shift_left3A_142 : i32 to vector<16xi32>
          %shift_left3A_144 = arith.shli %shift_right_arithmetic3A_141, %shift_left3A_143 : vector<16xi32>
          %and3A_145 = arith.constant 7 : i32
          %and3A_146 = vector.broadcast %and3A_145 : i32 to vector<16xi32>
          %and3A_147 = arith.andi %convert_element_type3A_104, %and3A_146 : vector<16xi32>
          %shift_left3A_148 = arith.constant 7 : i32
          %shift_left3A_149 = vector.broadcast %shift_left3A_148 : i32 to vector<16xi32>
          %shift_left3A_150 = arith.shli %and3A_147, %shift_left3A_149 : vector<16xi32>
          %add3A_151 = arith.addi %shift_left3A_144, %shift_left3A_150 : vector<16xi32>
          %shift_right_arithmetic3A_152 = arith.constant 3 : i32
          %shift_right_arithmetic3A_153 = vector.broadcast %shift_right_arithmetic3A_152 : i32 to vector<16xi32>
          %shift_right_arithmetic3A_154 = arith.shrsi %add3A_121, %shift_right_arithmetic3A_153 : vector<16xi32>
          %shift_left3A_155 = arith.constant 11 : i32
          %shift_left3A_156 = vector.broadcast %shift_left3A_155 : i32 to vector<16xi32>
          %shift_left3A_157 = arith.shli %shift_right_arithmetic3A_154, %shift_left3A_156 : vector<16xi32>
          %and3A_158 = arith.constant 7 : i32
          %and3A_159 = vector.broadcast %and3A_158 : i32 to vector<16xi32>
          %and3A_160 = arith.andi %add3A_121, %and3A_159 : vector<16xi32>
          %shift_left3A_161 = arith.constant 7 : i32
          %shift_left3A_162 = vector.broadcast %shift_left3A_161 : i32 to vector<16xi32>
          %shift_left3A_163 = arith.shli %and3A_160, %shift_left3A_162 : vector<16xi32>
          %add3A_164 = arith.addi %shift_left3A_157, %shift_left3A_163 : vector<16xi32>
          %shift_left3A_165 = arith.constant 16 : i32
          %shift_left3A_166 = vector.broadcast %shift_left3A_165 : i32 to vector<16xi32>
          %shift_left3A_167 = arith.shli %convert_element_type3A_105, %shift_left3A_166 : vector<16xi32>
          %add3A_168 = arith.addi %shift_left3A_167, %add3A_151 : vector<16xi32>
          %add3A_169 = arith.addi %add3A_168, %add3A_128 : vector<16xi32>
          %add3A_170 = arith.addi %shift_left3A_167, %add3A_151 : vector<16xi32>
          %add3A_171 = arith.addi %add3A_170, %add3A_138 : vector<16xi32>
          %add3A_172 = arith.addi %shift_left3A_167, %add3A_164 : vector<16xi32>
          %add3A_173 = arith.addi %add3A_172, %add3A_128 : vector<16xi32>
          %add3A_174 = arith.addi %shift_left3A_167, %add3A_164 : vector<16xi32>
          %add3A_175 = arith.addi %add3A_174, %add3A_138 : vector<16xi32>
          %swap3A_176 = arith.index_cast %mul3A_79 : i32 to index
          %swap3A_177 = tpu.vector_load %arg21[%swap3A_176] {strides = array<i32>} : memref<2000xi32, #tpu.memory_space<vmem>>, vector<16xi32>,
          tpu.vector_store %arg21[%swap3A_176], %add3A_169 {strides = array<i32>} : memref<2000xi32, #tpu.memory_space<vmem>>, vector<16xi32>,
          %swap3A_178 = arith.index_cast %mul3A_79 : i32 to index
          %swap3A_179 = tpu.vector_load %arg22[%swap3A_178] {strides = array<i32>} : memref<2000xi32, #tpu.memory_space<vmem>>, vector<16xi32>,
          tpu.vector_store %arg22[%swap3A_178], %add3A_171 {strides = array<i32>} : memref<2000xi32, #tpu.memory_space<vmem>>, vector<16xi32>,
          %swap3A_180 = arith.index_cast %mul3A_79 : i32 to index
          %swap3A_181 = tpu.vector_load %arg23[%swap3A_180] {strides = array<i32>} : memref<2000xi32, #tpu.memory_space<vmem>>, vector<16xi32>,
          tpu.vector_store %arg23[%swap3A_180], %add3A_173 {strides = array<i32>} : memref<2000xi32, #tpu.memory_space<vmem>>, vector<16xi32>,
          %swap3A_182 = arith.index_cast %mul3A_79 : i32 to index
          %swap3A_183 = tpu.vector_load %arg24[%swap3A_182] {strides = array<i32>} : memref<2000xi32, #tpu.memory_space<vmem>>, vector<16xi32>,
          tpu.vector_store %arg24[%swap3A_182], %add3A_175 {strides = array<i32>} : memref<2000xi32, #tpu.memory_space<vmem>>, vector<16xi32>,
          %add3A_184 = arith.constant 65536 : i32
          %add3A_185 = vector.broadcast %add3A_184 : i32 to vector<16xi32>
          %add3A_186 = arith.addi %add3A_169, %add3A_185 : vector<16xi32>
          %swap3A_187 = arith.index_cast %mul3A_79 : i32 to index
          %swap3A_188 = tpu.vector_load %arg25[%swap3A_187] {strides = array<i32>} : memref<2000xi32, #tpu.memory_space<vmem>>, vector<16xi32>,
          tpu.vector_store %arg25[%swap3A_187], %add3A_186 {strides = array<i32>} : memref<2000xi32, #tpu.memory_space<vmem>>, vector<16xi32>,
          %add3A_189 = arith.constant 65536 : i32
          %add3A_190 = vector.broadcast %add3A_189 : i32 to vector<16xi32>
          %add3A_191 = arith.addi %add3A_171, %add3A_190 : vector<16xi32>
          %swap3A_192 = arith.index_cast %mul3A_79 : i32 to index
          %swap3A_193 = tpu.vector_load %arg26[%swap3A_192] {strides = array<i32>} : memref<2000xi32, #tpu.memory_space<vmem>>, vector<16xi32>,
          tpu.vector_store %arg26[%swap3A_192], %add3A_191 {strides = array<i32>} : memref<2000xi32, #tpu.memory_space<vmem>>, vector<16xi32>,
          %add3A_194 = arith.constant 65536 : i32
          %add3A_195 = vector.broadcast %add3A_194 : i32 to vector<16xi32>
          %add3A_196 = arith.addi %add3A_173, %add3A_195 : vector<16xi32>
          %swap3A_197 = arith.index_cast %mul3A_79 : i32 to index
          %swap3A_198 = tpu.vector_load %arg27[%swap3A_197] {strides = array<i32>} : memref<2000xi32, #tpu.memory_space<vmem>>, vector<16xi32>,
          tpu.vector_store %arg27[%swap3A_197], %add3A_196 {strides = array<i32>} : memref<2000xi32, #tpu.memory_space<vmem>>, vector<16xi32>,
          %add3A_199 = arith.constant 65536 : i32
          %add3A_200 = vector.broadcast %add3A_199 : i32 to vector<16xi32>
          %add3A_201 = arith.addi %add3A_175, %add3A_200 : vector<16xi32>
          %swap3A_202 = arith.index_cast %mul3A_79 : i32 to index
          %swap3A_203 = tpu.vector_load %arg28[%swap3A_202] {strides = array<i32>} : memref<2000xi32, #tpu.memory_space<vmem>>, vector<16xi32>,
          tpu.vector_store %arg28[%swap3A_202], %add3A_201 {strides = array<i32>} : memref<2000xi32, #tpu.memory_space<vmem>>, vector<16xi32>,
          %scan3A_204 = arith.constant 0 : i32
          scf.yield %scan3A_204 : i32
        }
        %scan3A_59 = arith.constant 125 : i32
        %dma_start3A_60 = arith.constant 0 : i32
        %dma_start3A_61 = tpu.memref_slice %arg5[%dma_start3A_60] : memref<16777216xf32, #tpu.memory_space<hbm>> -> memref<16777216xf32, #tpu.memory_space<hbm>>
        tpu.enqueue_indirect_dma source(%dma_start3A_61 : memref<16777216xf32, #tpu.memory_space<hbm>>) target(%arg37 : memref<2000xf32, #tpu.memory_space<vmem>>) offsets(%arg21 : memref<2000xi32, #tpu.memory_space<vmem>>) semaphore(%arg54 : memref<!tpu.dma_semaphore, #tpu.memory_space<semaphore_mem>>)
        %dma_start3A_62 = arith.constant 0 : i32
        %dma_start3A_63 = tpu.memref_slice %arg5[%dma_start3A_62] : memref<16777216xf32, #tpu.memory_space<hbm>> -> memref<16777216xf32, #tpu.memory_space<hbm>>
        tpu.enqueue_indirect_dma source(%dma_start3A_63 : memref<16777216xf32, #tpu.memory_space<hbm>>) target(%arg38 : memref<2000xf32, #tpu.memory_space<vmem>>) offsets(%arg22 : memref<2000xi32, #tpu.memory_space<vmem>>) semaphore(%arg54 : memref<!tpu.dma_semaphore, #tpu.memory_space<semaphore_mem>>)
        %dma_start3A_64 = arith.constant 0 : i32
        %dma_start3A_65 = tpu.memref_slice %arg5[%dma_start3A_64] : memref<16777216xf32, #tpu.memory_space<hbm>> -> memref<16777216xf32, #tpu.memory_space<hbm>>
        tpu.enqueue_indirect_dma source(%dma_start3A_65 : memref<16777216xf32, #tpu.memory_space<hbm>>) target(%arg39 : memref<2000xf32, #tpu.memory_space<vmem>>) offsets(%arg23 : memref<2000xi32, #tpu.memory_space<vmem>>) semaphore(%arg54 : memref<!tpu.dma_semaphore, #tpu.memory_space<semaphore_mem>>)
        %dma_start3A_66 = arith.constant 0 : i32
        %dma_start3A_67 = tpu.memref_slice %arg5[%dma_start3A_66] : memref<16777216xf32, #tpu.memory_space<hbm>> -> memref<16777216xf32, #tpu.memory_space<hbm>>
        tpu.enqueue_indirect_dma source(%dma_start3A_67 : memref<16777216xf32, #tpu.memory_space<hbm>>) target(%arg40 : memref<2000xf32, #tpu.memory_space<vmem>>) offsets(%arg24 : memref<2000xi32, #tpu.memory_space<vmem>>) semaphore(%arg54 : memref<!tpu.dma_semaphore, #tpu.memory_space<semaphore_mem>>)
        %dma_start3A_68 = arith.constant 0 : i32
        %dma_start3A_69 = tpu.memref_slice %arg5[%dma_start3A_68] : memref<16777216xf32, #tpu.memory_space<hbm>> -> memref<16777216xf32, #tpu.memory_space<hbm>>
        tpu.enqueue_indirect_dma source(%dma_start3A_69 : memref<16777216xf32, #tpu.memory_space<hbm>>) target(%arg41 : memref<2000xf32, #tpu.memory_space<vmem>>) offsets(%arg25 : memref<2000xi32, #tpu.memory_space<vmem>>) semaphore(%arg54 : memref<!tpu.dma_semaphore, #tpu.memory_space<semaphore_mem>>)
        %dma_start3A_70 = arith.constant 0 : i32
        %dma_start3A_71 = tpu.memref_slice %arg5[%dma_start3A_70] : memref<16777216xf32, #tpu.memory_space<hbm>> -> memref<16777216xf32, #tpu.memory_space<hbm>>
        tpu.enqueue_indirect_dma source(%dma_start3A_71 : memref<16777216xf32, #tpu.memory_space<hbm>>) target(%arg42 : memref<2000xf32, #tpu.memory_space<vmem>>) offsets(%arg26 : memref<2000xi32, #tpu.memory_space<vmem>>) semaphore(%arg54 : memref<!tpu.dma_semaphore, #tpu.memory_space<semaphore_mem>>)
        %dma_start3A_72 = arith.constant 0 : i32
        %dma_start3A_73 = tpu.memref_slice %arg5[%dma_start3A_72] : memref<16777216xf32, #tpu.memory_space<hbm>> -> memref<16777216xf32, #tpu.memory_space<hbm>>
        tpu.enqueue_indirect_dma source(%dma_start3A_73 : memref<16777216xf32, #tpu.memory_space<hbm>>) target(%arg43 : memref<2000xf32, #tpu.memory_space<vmem>>) offsets(%arg27 : memref<2000xi32, #tpu.memory_space<vmem>>) semaphore(%arg54 : memref<!tpu.dma_semaphore, #tpu.memory_space<semaphore_mem>>)
        %dma_start3A_74 = arith.constant 0 : i32
        %dma_start3A_75 = tpu.memref_slice %arg5[%dma_start3A_74] : memref<16777216xf32, #tpu.memory_space<hbm>> -> memref<16777216xf32, #tpu.memory_space<hbm>>
        tpu.enqueue_indirect_dma source(%dma_start3A_75 : memref<16777216xf32, #tpu.memory_space<hbm>>) target(%arg44 : memref<2000xf32, #tpu.memory_space<vmem>>) offsets(%arg28 : memref<2000xi32, #tpu.memory_space<vmem>>) semaphore(%arg54 : memref<!tpu.dma_semaphore, #tpu.memory_space<semaphore_mem>>)
      } else {
      }
      %lt3A_25 = arith.constant 500 : i32
      %lt3A_26 = arith.cmpi slt, %add3A_15, %lt3A_25 : i32
      %convert_element_type3A_27 = arith.extui %lt3A_26 : i1 to i32
      %cond3A_28 = arith.constant 0 : i32
      %cond3A_29 = arith.cmpi ne, %convert_element_type3A_27, %cond3A_28 : i32
      scf.if %cond3A_29 {
        %dma_wait3A = arith.constant 0 : i32
        %dma_wait3A_41 = tpu.memref_slice %arg5[%dma_wait3A] : memref<16777216xf32, #tpu.memory_space<hbm>> -> memref<16777216xf32, #tpu.memory_space<hbm>>
        tpu.wait_indirect_dma semaphore(%arg53 : memref<!tpu.dma_semaphore, #tpu.memory_space<semaphore_mem>>) src(%dma_wait3A_41 : memref<16777216xf32, #tpu.memory_space<hbm>>) dst(%arg29 : memref<2000xf32, #tpu.memory_space<vmem>>)
        %dma_wait3A_42 = arith.constant 0 : i32
        %dma_wait3A_43 = tpu.memref_slice %arg5[%dma_wait3A_42] : memref<16777216xf32, #tpu.memory_space<hbm>> -> memref<16777216xf32, #tpu.memory_space<hbm>>
        tpu.wait_indirect_dma semaphore(%arg53 : memref<!tpu.dma_semaphore, #tpu.memory_space<semaphore_mem>>) src(%dma_wait3A_43 : memref<16777216xf32, #tpu.memory_space<hbm>>) dst(%arg30 : memref<2000xf32, #tpu.memory_space<vmem>>)
        %dma_wait3A_44 = arith.constant 0 : i32
        %dma_wait3A_45 = tpu.memref_slice %arg5[%dma_wait3A_44] : memref<16777216xf32, #tpu.memory_space<hbm>> -> memref<16777216xf32, #tpu.memory_space<hbm>>
        tpu.wait_indirect_dma semaphore(%arg53 : memref<!tpu.dma_semaphore, #tpu.memory_space<semaphore_mem>>) src(%dma_wait3A_45 : memref<16777216xf32, #tpu.memory_space<hbm>>) dst(%arg31 : memref<2000xf32, #tpu.memory_space<vmem>>)
        %dma_wait3A_46 = arith.constant 0 : i32
        %dma_wait3A_47 = tpu.memref_slice %arg5[%dma_wait3A_46] : memref<16777216xf32, #tpu.memory_space<hbm>> -> memref<16777216xf32, #tpu.memory_space<hbm>>
        tpu.wait_indirect_dma semaphore(%arg53 : memref<!tpu.dma_semaphore, #tpu.memory_space<semaphore_mem>>) src(%dma_wait3A_47 : memref<16777216xf32, #tpu.memory_space<hbm>>) dst(%arg32 : memref<2000xf32, #tpu.memory_space<vmem>>)
        %dma_wait3A_48 = arith.constant 0 : i32
        %dma_wait3A_49 = tpu.memref_slice %arg5[%dma_wait3A_48] : memref<16777216xf32, #tpu.memory_space<hbm>> -> memref<16777216xf32, #tpu.memory_space<hbm>>
        tpu.wait_indirect_dma semaphore(%arg53 : memref<!tpu.dma_semaphore, #tpu.memory_space<semaphore_mem>>) src(%dma_wait3A_49 : memref<16777216xf32, #tpu.memory_space<hbm>>) dst(%arg33 : memref<2000xf32, #tpu.memory_space<vmem>>)
        %dma_wait3A_50 = arith.constant 0 : i32
        %dma_wait3A_51 = tpu.memref_slice %arg5[%dma_wait3A_50] : memref<16777216xf32, #tpu.memory_space<hbm>> -> memref<16777216xf32, #tpu.memory_space<hbm>>
        tpu.wait_indirect_dma semaphore(%arg53 : memref<!tpu.dma_semaphore, #tpu.memory_space<semaphore_mem>>) src(%dma_wait3A_51 : memref<16777216xf32, #tpu.memory_space<hbm>>) dst(%arg34 : memref<2000xf32, #tpu.memory_space<vmem>>)
        %dma_wait3A_52 = arith.constant 0 : i32
        %dma_wait3A_53 = tpu.memref_slice %arg5[%dma_wait3A_52] : memref<16777216xf32, #tpu.memory_space<hbm>> -> memref<16777216xf32, #tpu.memory_space<hbm>>
        tpu.wait_indirect_dma semaphore(%arg53 : memref<!tpu.dma_semaphore, #tpu.memory_space<semaphore_mem>>) src(%dma_wait3A_53 : memref<16777216xf32, #tpu.memory_space<hbm>>) dst(%arg35 : memref<2000xf32, #tpu.memory_space<vmem>>)
        %dma_wait3A_54 = arith.constant 0 : i32
        %dma_wait3A_55 = tpu.memref_slice %arg5[%dma_wait3A_54] : memref<16777216xf32, #tpu.memory_space<hbm>> -> memref<16777216xf32, #tpu.memory_space<hbm>>
        tpu.wait_indirect_dma semaphore(%arg53 : memref<!tpu.dma_semaphore, #tpu.memory_space<semaphore_mem>>) src(%dma_wait3A_55 : memref<16777216xf32, #tpu.memory_space<hbm>>) dst(%arg36 : memref<2000xf32, #tpu.memory_space<vmem>>)
        %scan3A_56 = arith.constant 0 : i32
        %scan3A_57 = arith.constant 0 : i32
        %scan3A_58 = arith.constant 125 : i32
        %scan3A_59 = arith.addi %scan3A_57, %scan3A_58 : i32
        %scan3A_60 = arith.constant 1 : i32
        %scan3A_61 = scf.for %scan3A_65 = %scan3A_57 to %scan3A_59 step %scan3A_60 iter_args(%scan3A_66 = %scan3A_56) -> (i32)  : i32 {
          %mul3A_67 = arith.constant 16 : i32
          %mul3A_68 = arith.muli %scan3A_65, %mul3A_67 : i32
          %get3A = arith.index_cast %mul3A_68 : i32 to index
          %get3A_69 = tpu.vector_load %arg45[%get3A] {strides = array<i32>} : memref<2000xf32, #tpu.memory_space<vmem>>, vector<16xf32>,
          %get3A_70 = arith.index_cast %mul3A_68 : i32 to index
          %get3A_71 = tpu.vector_load %arg46[%get3A_70] {strides = array<i32>} : memref<2000xf32, #tpu.memory_space<vmem>>, vector<16xf32>,
          %get3A_72 = arith.index_cast %mul3A_68 : i32 to index
          %get3A_73 = tpu.vector_load %arg47[%get3A_72] {strides = array<i32>} : memref<2000xf32, #tpu.memory_space<vmem>>, vector<16xf32>,
          %get3A_74 = arith.index_cast %mul3A_68 : i32 to index
          %get3A_75 = tpu.vector_load %arg29[%get3A_74] {strides = array<i32>} : memref<2000xf32, #tpu.memory_space<vmem>>, vector<16xf32>,
          %get3A_76 = arith.index_cast %mul3A_68 : i32 to index
          %get3A_77 = tpu.vector_load %arg30[%get3A_76] {strides = array<i32>} : memref<2000xf32, #tpu.memory_space<vmem>>, vector<16xf32>,
          %get3A_78 = arith.index_cast %mul3A_68 : i32 to index
          %get3A_79 = tpu.vector_load %arg31[%get3A_78] {strides = array<i32>} : memref<2000xf32, #tpu.memory_space<vmem>>, vector<16xf32>,
          %get3A_80 = arith.index_cast %mul3A_68 : i32 to index
          %get3A_81 = tpu.vector_load %arg32[%get3A_80] {strides = array<i32>} : memref<2000xf32, #tpu.memory_space<vmem>>, vector<16xf32>,
          %get3A_82 = arith.index_cast %mul3A_68 : i32 to index
          %get3A_83 = tpu.vector_load %arg33[%get3A_82] {strides = array<i32>} : memref<2000xf32, #tpu.memory_space<vmem>>, vector<16xf32>,
          %get3A_84 = arith.index_cast %mul3A_68 : i32 to index
          %get3A_85 = tpu.vector_load %arg34[%get3A_84] {strides = array<i32>} : memref<2000xf32, #tpu.memory_space<vmem>>, vector<16xf32>,
          %get3A_86 = arith.index_cast %mul3A_68 : i32 to index
          %get3A_87 = tpu.vector_load %arg35[%get3A_86] {strides = array<i32>} : memref<2000xf32, #tpu.memory_space<vmem>>, vector<16xf32>,
          %get3A_88 = arith.index_cast %mul3A_68 : i32 to index
          %get3A_89 = tpu.vector_load %arg36[%get3A_88] {strides = array<i32>} : memref<2000xf32, #tpu.memory_space<vmem>>, vector<16xf32>,
          %sub3A = arith.subf %get3A_77, %get3A_75 : vector<16xf32>
          %mul3A_90 = arith.mulf %get3A_69, %sub3A : vector<16xf32>
          %add3A_91 = arith.addf %get3A_75, %mul3A_90 : vector<16xf32>
          %sub3A_92 = arith.subf %get3A_81, %get3A_79 : vector<16xf32>
          %mul3A_93 = arith.mulf %get3A_69, %sub3A_92 : vector<16xf32>
          %add3A_94 = arith.addf %get3A_79, %mul3A_93 : vector<16xf32>
          %sub3A_95 = arith.subf %get3A_85, %get3A_83 : vector<16xf32>
          %mul3A_96 = arith.mulf %get3A_69, %sub3A_95 : vector<16xf32>
          %add3A_97 = arith.addf %get3A_83, %mul3A_96 : vector<16xf32>
          %sub3A_98 = arith.subf %get3A_89, %get3A_87 : vector<16xf32>
          %mul3A_99 = arith.mulf %get3A_69, %sub3A_98 : vector<16xf32>
          %add3A_100 = arith.addf %get3A_87, %mul3A_99 : vector<16xf32>
          %sub3A_101 = arith.subf %add3A_94, %add3A_91 : vector<16xf32>
          %mul3A_102 = arith.mulf %get3A_71, %sub3A_101 : vector<16xf32>
          %add3A_103 = arith.addf %add3A_91, %mul3A_102 : vector<16xf32>
          %sub3A_104 = arith.subf %add3A_100, %add3A_97 : vector<16xf32>
          %mul3A_105 = arith.mulf %get3A_71, %sub3A_104 : vector<16xf32>
          %add3A_106 = arith.addf %add3A_97, %mul3A_105 : vector<16xf32>
          %sub3A_107 = arith.subf %add3A_106, %add3A_103 : vector<16xf32>
          %mul3A_108 = arith.mulf %get3A_73, %sub3A_107 : vector<16xf32>
          %add3A_109 = arith.addf %add3A_103, %mul3A_108 : vector<16xf32>
          %swap3A = arith.index_cast %mul3A_68 : i32 to index
          %swap3A_110 = tpu.vector_load %arg51[%swap3A] {strides = array<i32>} : memref<2000xf32, #tpu.memory_space<vmem>>, vector<16xf32>,
          tpu.vector_store %arg51[%swap3A], %add3A_109 {strides = array<i32>} : memref<2000xf32, #tpu.memory_space<vmem>>, vector<16xf32>,
          %scan3A_111 = arith.constant 0 : i32
          scf.yield %scan3A_111 : i32
        }
        %scan3A_62 = arith.constant 125 : i32
        %mul3A_63 = arith.constant 2000 : i32
        %mul3A_64 = arith.muli %add3A_15, %mul3A_63 : i32
        "tpu.region"() ({
          %run_scoped3A = tpu.sem_alloc : memref<!tpu.dma_semaphore, #tpu.memory_space<semaphore_mem>>
          %dma_start3A = tpu.memref_slice %arg6[%mul3A_64] : memref<1000000xf32, #tpu.memory_space<hbm>> -> memref<2000xf32, #tpu.memory_space<hbm>>
          %dma_start3A_65 = tpu.memref_slice %arg6[%mul3A_64] : memref<1000000xf32, #tpu.memory_space<hbm>> -> memref<2000xf32, #tpu.memory_space<hbm>>
          tpu.enqueue_dma source(%arg51 : memref<2000xf32, #tpu.memory_space<vmem>>) target(%dma_start3A_65 : memref<2000xf32, #tpu.memory_space<hbm>>) target_semaphore(%run_scoped3A : memref<!tpu.dma_semaphore, #tpu.memory_space<semaphore_mem>>)
          %dma_wait3A_66 = tpu.memref_slice %arg6[%mul3A_64] : memref<1000000xf32, #tpu.memory_space<hbm>> -> memref<2000xf32, #tpu.memory_space<hbm>>
          %dma_wait3A_67 = tpu.memref_slice %arg6[%mul3A_64] : memref<1000000xf32, #tpu.memory_space<hbm>> -> memref<2000xf32, #tpu.memory_space<hbm>>
          tpu.wait_dma2 semaphore(%run_scoped3A : memref<!tpu.dma_semaphore, #tpu.memory_space<semaphore_mem>>) src(%arg51 : memref<2000xf32, #tpu.memory_space<vmem>>) dst(%dma_wait3A_67 : memref<2000xf32, #tpu.memory_space<hbm>>)
          tpu.yield
        }) : () -> ()
      } else {
      }
      %lt3A_30 = arith.constant 500 : i32
      %lt3A_31 = arith.cmpi slt, %add3A_19, %lt3A_30 : i32
      %convert_element_type3A_32 = arith.extui %lt3A_31 : i1 to i32
      %cond3A_33 = arith.constant 0 : i32
      %cond3A_34 = arith.cmpi ne, %convert_element_type3A_32, %cond3A_33 : i32
      scf.if %cond3A_34 {
        %mul3A_41 = arith.constant 2000 : i32
        %mul3A_42 = arith.muli %add3A_19, %mul3A_41 : i32
        %dma_start3A = tpu.memref_slice %arg2[%mul3A_42] : memref<1000000xf32, #tpu.memory_space<hbm>> -> memref<2000xf32, #tpu.memory_space<hbm>>
        %dma_start3A_43 = tpu.memref_slice %arg2[%mul3A_42] : memref<1000000xf32, #tpu.memory_space<hbm>> -> memref<2000xf32, #tpu.memory_space<hbm>>
        tpu.enqueue_dma source(%dma_start3A_43 : memref<2000xf32, #tpu.memory_space<hbm>>) target(%arg7 : memref<2000xf32, #tpu.memory_space<vmem>>) target_semaphore(%arg55 : memref<!tpu.dma_semaphore, #tpu.memory_space<semaphore_mem>>)
        %dma_start3A_44 = tpu.memref_slice %arg3[%mul3A_42] : memref<1000000xf32, #tpu.memory_space<hbm>> -> memref<2000xf32, #tpu.memory_space<hbm>>
        %dma_start3A_45 = tpu.memref_slice %arg3[%mul3A_42] : memref<1000000xf32, #tpu.memory_space<hbm>> -> memref<2000xf32, #tpu.memory_space<hbm>>
        tpu.enqueue_dma source(%dma_start3A_45 : memref<2000xf32, #tpu.memory_space<hbm>>) target(%arg8 : memref<2000xf32, #tpu.memory_space<vmem>>) target_semaphore(%arg55 : memref<!tpu.dma_semaphore, #tpu.memory_space<semaphore_mem>>)
        %dma_start3A_46 = tpu.memref_slice %arg4[%mul3A_42] : memref<1000000xf32, #tpu.memory_space<hbm>> -> memref<2000xf32, #tpu.memory_space<hbm>>
        %dma_start3A_47 = tpu.memref_slice %arg4[%mul3A_42] : memref<1000000xf32, #tpu.memory_space<hbm>> -> memref<2000xf32, #tpu.memory_space<hbm>>
        tpu.enqueue_dma source(%dma_start3A_47 : memref<2000xf32, #tpu.memory_space<hbm>>) target(%arg9 : memref<2000xf32, #tpu.memory_space<vmem>>) target_semaphore(%arg55 : memref<!tpu.dma_semaphore, #tpu.memory_space<semaphore_mem>>)
        %dma_wait3A = tpu.memref_slice %arg2[%mul3A_42] : memref<1000000xf32, #tpu.memory_space<hbm>> -> memref<2000xf32, #tpu.memory_space<hbm>>
        %dma_wait3A_48 = tpu.memref_slice %arg2[%mul3A_42] : memref<1000000xf32, #tpu.memory_space<hbm>> -> memref<2000xf32, #tpu.memory_space<hbm>>
        tpu.wait_dma2 semaphore(%arg55 : memref<!tpu.dma_semaphore, #tpu.memory_space<semaphore_mem>>) src(%dma_wait3A_48 : memref<2000xf32, #tpu.memory_space<hbm>>) dst(%arg7 : memref<2000xf32, #tpu.memory_space<vmem>>)
        %dma_wait3A_49 = tpu.memref_slice %arg3[%mul3A_42] : memref<1000000xf32, #tpu.memory_space<hbm>> -> memref<2000xf32, #tpu.memory_space<hbm>>
        %dma_wait3A_50 = tpu.memref_slice %arg3[%mul3A_42] : memref<1000000xf32, #tpu.memory_space<hbm>> -> memref<2000xf32, #tpu.memory_space<hbm>>
        tpu.wait_dma2 semaphore(%arg55 : memref<!tpu.dma_semaphore, #tpu.memory_space<semaphore_mem>>) src(%dma_wait3A_50 : memref<2000xf32, #tpu.memory_space<hbm>>) dst(%arg8 : memref<2000xf32, #tpu.memory_space<vmem>>)
        %dma_wait3A_51 = tpu.memref_slice %arg4[%mul3A_42] : memref<1000000xf32, #tpu.memory_space<hbm>> -> memref<2000xf32, #tpu.memory_space<hbm>>
        %dma_wait3A_52 = tpu.memref_slice %arg4[%mul3A_42] : memref<1000000xf32, #tpu.memory_space<hbm>> -> memref<2000xf32, #tpu.memory_space<hbm>>
        tpu.wait_dma2 semaphore(%arg55 : memref<!tpu.dma_semaphore, #tpu.memory_space<semaphore_mem>>) src(%dma_wait3A_52 : memref<2000xf32, #tpu.memory_space<hbm>>) dst(%arg9 : memref<2000xf32, #tpu.memory_space<vmem>>)
        %scan3A_53 = arith.constant 0 : i32
        %scan3A_54 = arith.constant 0 : i32
        %scan3A_55 = arith.constant 125 : i32
        %scan3A_56 = arith.addi %scan3A_54, %scan3A_55 : i32
        %scan3A_57 = arith.constant 1 : i32
        %scan3A_58 = scf.for %scan3A_76 = %scan3A_54 to %scan3A_56 step %scan3A_57 iter_args(%scan3A_77 = %scan3A_53) -> (i32)  : i32 {
          %mul3A_78 = arith.constant 16 : i32
          %mul3A_79 = arith.muli %scan3A_76, %mul3A_78 : i32
          %get3A = arith.index_cast %mul3A_79 : i32 to index
          %get3A_80 = tpu.vector_load %arg7[%get3A] {strides = array<i32>} : memref<2000xf32, #tpu.memory_space<vmem>>, vector<16xf32>,
          %get3A_81 = arith.index_cast %mul3A_79 : i32 to index
          %get3A_82 = tpu.vector_load %arg8[%get3A_81] {strides = array<i32>} : memref<2000xf32, #tpu.memory_space<vmem>>, vector<16xf32>,
          %get3A_83 = arith.index_cast %mul3A_79 : i32 to index
          %get3A_84 = tpu.vector_load %arg9[%get3A_83] {strides = array<i32>} : memref<2000xf32, #tpu.memory_space<vmem>>, vector<16xf32>,
          %mul3A_85 = arith.constant 115.909088 : f32
          %mul3A_86 = vector.broadcast %mul3A_85 : f32 to vector<16xf32>
          %mul3A_87 = arith.mulf %get3A_84, %mul3A_86 : vector<16xf32>
          %add3A_88 = arith.constant 1.275000e+02 : f32
          %add3A_89 = vector.broadcast %add3A_88 : f32 to vector<16xf32>
          %add3A_90 = arith.addf %mul3A_87, %add3A_89 : vector<16xf32>
          %mul3A_91 = arith.constant 115.909088 : f32
          %mul3A_92 = vector.broadcast %mul3A_91 : f32 to vector<16xf32>
          %mul3A_93 = arith.mulf %get3A_82, %mul3A_92 : vector<16xf32>
          %add3A_94 = arith.constant 1.275000e+02 : f32
          %add3A_95 = vector.broadcast %add3A_94 : f32 to vector<16xf32>
          %add3A_96 = arith.addf %mul3A_93, %add3A_95 : vector<16xf32>
          %mul3A_97 = arith.constant 115.909088 : f32
          %mul3A_98 = vector.broadcast %mul3A_97 : f32 to vector<16xf32>
          %mul3A_99 = arith.mulf %get3A_80, %mul3A_98 : vector<16xf32>
          %add3A_100 = arith.constant 1.275000e+02 : f32
          %add3A_101 = vector.broadcast %add3A_100 : f32 to vector<16xf32>
          %add3A_102 = arith.addf %mul3A_99, %add3A_101 : vector<16xf32>
          %convert_element_type3A_103 = arith.fptosi %add3A_90 : vector<16xf32> to vector<16xi32>
          %convert_element_type3A_104 = arith.fptosi %add3A_96 : vector<16xf32> to vector<16xi32>
          %convert_element_type3A_105 = arith.fptosi %add3A_102 : vector<16xf32> to vector<16xi32>
          %convert_element_type3A_106 = arith.sitofp %convert_element_type3A_103 : vector<16xi32> to vector<16xf32>
          %sub3A = arith.subf %add3A_90, %convert_element_type3A_106 : vector<16xf32>
          %swap3A = arith.index_cast %mul3A_79 : i32 to index
          %swap3A_107 = tpu.vector_load %arg45[%swap3A] {strides = array<i32>} : memref<2000xf32, #tpu.memory_space<vmem>>, vector<16xf32>,
          tpu.vector_store %arg45[%swap3A], %sub3A {strides = array<i32>} : memref<2000xf32, #tpu.memory_space<vmem>>, vector<16xf32>,
          %convert_element_type3A_108 = arith.sitofp %convert_element_type3A_104 : vector<16xi32> to vector<16xf32>
          %sub3A_109 = arith.subf %add3A_96, %convert_element_type3A_108 : vector<16xf32>
          %swap3A_110 = arith.index_cast %mul3A_79 : i32 to index
          %swap3A_111 = tpu.vector_load %arg46[%swap3A_110] {strides = array<i32>} : memref<2000xf32, #tpu.memory_space<vmem>>, vector<16xf32>,
          tpu.vector_store %arg46[%swap3A_110], %sub3A_109 {strides = array<i32>} : memref<2000xf32, #tpu.memory_space<vmem>>, vector<16xf32>,
          %convert_element_type3A_112 = arith.sitofp %convert_element_type3A_105 : vector<16xi32> to vector<16xf32>
          %sub3A_113 = arith.subf %add3A_102, %convert_element_type3A_112 : vector<16xf32>
          %swap3A_114 = arith.index_cast %mul3A_79 : i32 to index
          %swap3A_115 = tpu.vector_load %arg47[%swap3A_114] {strides = array<i32>} : memref<2000xf32, #tpu.memory_space<vmem>>, vector<16xf32>,
          tpu.vector_store %arg47[%swap3A_114], %sub3A_113 {strides = array<i32>} : memref<2000xf32, #tpu.memory_space<vmem>>, vector<16xf32>,
          %add3A_116 = arith.constant 1 : i32
          %add3A_117 = vector.broadcast %add3A_116 : i32 to vector<16xi32>
          %add3A_118 = arith.addi %convert_element_type3A_103, %add3A_117 : vector<16xi32>
          %add3A_119 = arith.constant 1 : i32
          %add3A_120 = vector.broadcast %add3A_119 : i32 to vector<16xi32>
          %add3A_121 = arith.addi %convert_element_type3A_104, %add3A_120 : vector<16xi32>
          %shift_right_arithmetic3A = arith.constant 7 : i32
          %shift_right_arithmetic3A_122 = vector.broadcast %shift_right_arithmetic3A : i32 to vector<16xi32>
          %shift_right_arithmetic3A_123 = arith.shrsi %convert_element_type3A_103, %shift_right_arithmetic3A_122 : vector<16xi32>
          %shift_left3A = arith.constant 10 : i32
          %shift_left3A_124 = vector.broadcast %shift_left3A : i32 to vector<16xi32>
          %shift_left3A_125 = arith.shli %shift_right_arithmetic3A_123, %shift_left3A_124 : vector<16xi32>
          %and3A = arith.constant 127 : i32
          %and3A_126 = vector.broadcast %and3A : i32 to vector<16xi32>
          %and3A_127 = arith.andi %convert_element_type3A_103, %and3A_126 : vector<16xi32>
          %add3A_128 = arith.addi %shift_left3A_125, %and3A_127 : vector<16xi32>
          %shift_right_arithmetic3A_129 = arith.constant 7 : i32
          %shift_right_arithmetic3A_130 = vector.broadcast %shift_right_arithmetic3A_129 : i32 to vector<16xi32>
          %shift_right_arithmetic3A_131 = arith.shrsi %add3A_118, %shift_right_arithmetic3A_130 : vector<16xi32>
          %shift_left3A_132 = arith.constant 10 : i32
          %shift_left3A_133 = vector.broadcast %shift_left3A_132 : i32 to vector<16xi32>
          %shift_left3A_134 = arith.shli %shift_right_arithmetic3A_131, %shift_left3A_133 : vector<16xi32>
          %and3A_135 = arith.constant 127 : i32
          %and3A_136 = vector.broadcast %and3A_135 : i32 to vector<16xi32>
          %and3A_137 = arith.andi %add3A_118, %and3A_136 : vector<16xi32>
          %add3A_138 = arith.addi %shift_left3A_134, %and3A_137 : vector<16xi32>
          %shift_right_arithmetic3A_139 = arith.constant 3 : i32
          %shift_right_arithmetic3A_140 = vector.broadcast %shift_right_arithmetic3A_139 : i32 to vector<16xi32>
          %shift_right_arithmetic3A_141 = arith.shrsi %convert_element_type3A_104, %shift_right_arithmetic3A_140 : vector<16xi32>
          %shift_left3A_142 = arith.constant 11 : i32
          %shift_left3A_143 = vector.broadcast %shift_left3A_142 : i32 to vector<16xi32>
          %shift_left3A_144 = arith.shli %shift_right_arithmetic3A_141, %shift_left3A_143 : vector<16xi32>
          %and3A_145 = arith.constant 7 : i32
          %and3A_146 = vector.broadcast %and3A_145 : i32 to vector<16xi32>
          %and3A_147 = arith.andi %convert_element_type3A_104, %and3A_146 : vector<16xi32>
          %shift_left3A_148 = arith.constant 7 : i32
          %shift_left3A_149 = vector.broadcast %shift_left3A_148 : i32 to vector<16xi32>
          %shift_left3A_150 = arith.shli %and3A_147, %shift_left3A_149 : vector<16xi32>
          %add3A_151 = arith.addi %shift_left3A_144, %shift_left3A_150 : vector<16xi32>
          %shift_right_arithmetic3A_152 = arith.constant 3 : i32
          %shift_right_arithmetic3A_153 = vector.broadcast %shift_right_arithmetic3A_152 : i32 to vector<16xi32>
          %shift_right_arithmetic3A_154 = arith.shrsi %add3A_121, %shift_right_arithmetic3A_153 : vector<16xi32>
          %shift_left3A_155 = arith.constant 11 : i32
          %shift_left3A_156 = vector.broadcast %shift_left3A_155 : i32 to vector<16xi32>
          %shift_left3A_157 = arith.shli %shift_right_arithmetic3A_154, %shift_left3A_156 : vector<16xi32>
          %and3A_158 = arith.constant 7 : i32
          %and3A_159 = vector.broadcast %and3A_158 : i32 to vector<16xi32>
          %and3A_160 = arith.andi %add3A_121, %and3A_159 : vector<16xi32>
          %shift_left3A_161 = arith.constant 7 : i32
          %shift_left3A_162 = vector.broadcast %shift_left3A_161 : i32 to vector<16xi32>
          %shift_left3A_163 = arith.shli %and3A_160, %shift_left3A_162 : vector<16xi32>
          %add3A_164 = arith.addi %shift_left3A_157, %shift_left3A_163 : vector<16xi32>
          %shift_left3A_165 = arith.constant 16 : i32
          %shift_left3A_166 = vector.broadcast %shift_left3A_165 : i32 to vector<16xi32>
          %shift_left3A_167 = arith.shli %convert_element_type3A_105, %shift_left3A_166 : vector<16xi32>
          %add3A_168 = arith.addi %shift_left3A_167, %add3A_151 : vector<16xi32>
          %add3A_169 = arith.addi %add3A_168, %add3A_128 : vector<16xi32>
          %add3A_170 = arith.addi %shift_left3A_167, %add3A_151 : vector<16xi32>
          %add3A_171 = arith.addi %add3A_170, %add3A_138 : vector<16xi32>
          %add3A_172 = arith.addi %shift_left3A_167, %add3A_164 : vector<16xi32>
          %add3A_173 = arith.addi %add3A_172, %add3A_128 : vector<16xi32>
          %add3A_174 = arith.addi %shift_left3A_167, %add3A_164 : vector<16xi32>
          %add3A_175 = arith.addi %add3A_174, %add3A_138 : vector<16xi32>
          %swap3A_176 = arith.index_cast %mul3A_79 : i32 to index
          %swap3A_177 = tpu.vector_load %arg13[%swap3A_176] {strides = array<i32>} : memref<2000xi32, #tpu.memory_space<vmem>>, vector<16xi32>,
          tpu.vector_store %arg13[%swap3A_176], %add3A_169 {strides = array<i32>} : memref<2000xi32, #tpu.memory_space<vmem>>, vector<16xi32>,
          %swap3A_178 = arith.index_cast %mul3A_79 : i32 to index
          %swap3A_179 = tpu.vector_load %arg14[%swap3A_178] {strides = array<i32>} : memref<2000xi32, #tpu.memory_space<vmem>>, vector<16xi32>,
          tpu.vector_store %arg14[%swap3A_178], %add3A_171 {strides = array<i32>} : memref<2000xi32, #tpu.memory_space<vmem>>, vector<16xi32>,
          %swap3A_180 = arith.index_cast %mul3A_79 : i32 to index
          %swap3A_181 = tpu.vector_load %arg15[%swap3A_180] {strides = array<i32>} : memref<2000xi32, #tpu.memory_space<vmem>>, vector<16xi32>,
          tpu.vector_store %arg15[%swap3A_180], %add3A_173 {strides = array<i32>} : memref<2000xi32, #tpu.memory_space<vmem>>, vector<16xi32>,
          %swap3A_182 = arith.index_cast %mul3A_79 : i32 to index
          %swap3A_183 = tpu.vector_load %arg16[%swap3A_182] {strides = array<i32>} : memref<2000xi32, #tpu.memory_space<vmem>>, vector<16xi32>,
          tpu.vector_store %arg16[%swap3A_182], %add3A_175 {strides = array<i32>} : memref<2000xi32, #tpu.memory_space<vmem>>, vector<16xi32>,
          %add3A_184 = arith.constant 65536 : i32
          %add3A_185 = vector.broadcast %add3A_184 : i32 to vector<16xi32>
          %add3A_186 = arith.addi %add3A_169, %add3A_185 : vector<16xi32>
          %swap3A_187 = arith.index_cast %mul3A_79 : i32 to index
          %swap3A_188 = tpu.vector_load %arg17[%swap3A_187] {strides = array<i32>} : memref<2000xi32, #tpu.memory_space<vmem>>, vector<16xi32>,
          tpu.vector_store %arg17[%swap3A_187], %add3A_186 {strides = array<i32>} : memref<2000xi32, #tpu.memory_space<vmem>>, vector<16xi32>,
          %add3A_189 = arith.constant 65536 : i32
          %add3A_190 = vector.broadcast %add3A_189 : i32 to vector<16xi32>
          %add3A_191 = arith.addi %add3A_171, %add3A_190 : vector<16xi32>
          %swap3A_192 = arith.index_cast %mul3A_79 : i32 to index
          %swap3A_193 = tpu.vector_load %arg18[%swap3A_192] {strides = array<i32>} : memref<2000xi32, #tpu.memory_space<vmem>>, vector<16xi32>,
          tpu.vector_store %arg18[%swap3A_192], %add3A_191 {strides = array<i32>} : memref<2000xi32, #tpu.memory_space<vmem>>, vector<16xi32>,
          %add3A_194 = arith.constant 65536 : i32
          %add3A_195 = vector.broadcast %add3A_194 : i32 to vector<16xi32>
          %add3A_196 = arith.addi %add3A_173, %add3A_195 : vector<16xi32>
          %swap3A_197 = arith.index_cast %mul3A_79 : i32 to index
          %swap3A_198 = tpu.vector_load %arg19[%swap3A_197] {strides = array<i32>} : memref<2000xi32, #tpu.memory_space<vmem>>, vector<16xi32>,
          tpu.vector_store %arg19[%swap3A_197], %add3A_196 {strides = array<i32>} : memref<2000xi32, #tpu.memory_space<vmem>>, vector<16xi32>,
          %add3A_199 = arith.constant 65536 : i32
          %add3A_200 = vector.broadcast %add3A_199 : i32 to vector<16xi32>
          %add3A_201 = arith.addi %add3A_175, %add3A_200 : vector<16xi32>
          %swap3A_202 = arith.index_cast %mul3A_79 : i32 to index
          %swap3A_203 = tpu.vector_load %arg20[%swap3A_202] {strides = array<i32>} : memref<2000xi32, #tpu.memory_space<vmem>>, vector<16xi32>,
          tpu.vector_store %arg20[%swap3A_202], %add3A_201 {strides = array<i32>} : memref<2000xi32, #tpu.memory_space<vmem>>, vector<16xi32>,
          %scan3A_204 = arith.constant 0 : i32
          scf.yield %scan3A_204 : i32
        }
        %scan3A_59 = arith.constant 125 : i32
        %dma_start3A_60 = arith.constant 0 : i32
        %dma_start3A_61 = tpu.memref_slice %arg5[%dma_start3A_60] : memref<16777216xf32, #tpu.memory_space<hbm>> -> memref<16777216xf32, #tpu.memory_space<hbm>>
        tpu.enqueue_indirect_dma source(%dma_start3A_61 : memref<16777216xf32, #tpu.memory_space<hbm>>) target(%arg29 : memref<2000xf32, #tpu.memory_space<vmem>>) offsets(%arg13 : memref<2000xi32, #tpu.memory_space<vmem>>) semaphore(%arg53 : memref<!tpu.dma_semaphore, #tpu.memory_space<semaphore_mem>>)
        %dma_start3A_62 = arith.constant 0 : i32
        %dma_start3A_63 = tpu.memref_slice %arg5[%dma_start3A_62] : memref<16777216xf32, #tpu.memory_space<hbm>> -> memref<16777216xf32, #tpu.memory_space<hbm>>
        tpu.enqueue_indirect_dma source(%dma_start3A_63 : memref<16777216xf32, #tpu.memory_space<hbm>>) target(%arg30 : memref<2000xf32, #tpu.memory_space<vmem>>) offsets(%arg14 : memref<2000xi32, #tpu.memory_space<vmem>>) semaphore(%arg53 : memref<!tpu.dma_semaphore, #tpu.memory_space<semaphore_mem>>)
        %dma_start3A_64 = arith.constant 0 : i32
        %dma_start3A_65 = tpu.memref_slice %arg5[%dma_start3A_64] : memref<16777216xf32, #tpu.memory_space<hbm>> -> memref<16777216xf32, #tpu.memory_space<hbm>>
        tpu.enqueue_indirect_dma source(%dma_start3A_65 : memref<16777216xf32, #tpu.memory_space<hbm>>) target(%arg31 : memref<2000xf32, #tpu.memory_space<vmem>>) offsets(%arg15 : memref<2000xi32, #tpu.memory_space<vmem>>) semaphore(%arg53 : memref<!tpu.dma_semaphore, #tpu.memory_space<semaphore_mem>>)
        %dma_start3A_66 = arith.constant 0 : i32
        %dma_start3A_67 = tpu.memref_slice %arg5[%dma_start3A_66] : memref<16777216xf32, #tpu.memory_space<hbm>> -> memref<16777216xf32, #tpu.memory_space<hbm>>
        tpu.enqueue_indirect_dma source(%dma_start3A_67 : memref<16777216xf32, #tpu.memory_space<hbm>>) target(%arg32 : memref<2000xf32, #tpu.memory_space<vmem>>) offsets(%arg16 : memref<2000xi32, #tpu.memory_space<vmem>>) semaphore(%arg53 : memref<!tpu.dma_semaphore, #tpu.memory_space<semaphore_mem>>)
        %dma_start3A_68 = arith.constant 0 : i32
        %dma_start3A_69 = tpu.memref_slice %arg5[%dma_start3A_68] : memref<16777216xf32, #tpu.memory_space<hbm>> -> memref<16777216xf32, #tpu.memory_space<hbm>>
        tpu.enqueue_indirect_dma source(%dma_start3A_69 : memref<16777216xf32, #tpu.memory_space<hbm>>) target(%arg33 : memref<2000xf32, #tpu.memory_space<vmem>>) offsets(%arg17 : memref<2000xi32, #tpu.memory_space<vmem>>) semaphore(%arg53 : memref<!tpu.dma_semaphore, #tpu.memory_space<semaphore_mem>>)
        %dma_start3A_70 = arith.constant 0 : i32
        %dma_start3A_71 = tpu.memref_slice %arg5[%dma_start3A_70] : memref<16777216xf32, #tpu.memory_space<hbm>> -> memref<16777216xf32, #tpu.memory_space<hbm>>
        tpu.enqueue_indirect_dma source(%dma_start3A_71 : memref<16777216xf32, #tpu.memory_space<hbm>>) target(%arg34 : memref<2000xf32, #tpu.memory_space<vmem>>) offsets(%arg18 : memref<2000xi32, #tpu.memory_space<vmem>>) semaphore(%arg53 : memref<!tpu.dma_semaphore, #tpu.memory_space<semaphore_mem>>)
        %dma_start3A_72 = arith.constant 0 : i32
        %dma_start3A_73 = tpu.memref_slice %arg5[%dma_start3A_72] : memref<16777216xf32, #tpu.memory_space<hbm>> -> memref<16777216xf32, #tpu.memory_space<hbm>>
        tpu.enqueue_indirect_dma source(%dma_start3A_73 : memref<16777216xf32, #tpu.memory_space<hbm>>) target(%arg35 : memref<2000xf32, #tpu.memory_space<vmem>>) offsets(%arg19 : memref<2000xi32, #tpu.memory_space<vmem>>) semaphore(%arg53 : memref<!tpu.dma_semaphore, #tpu.memory_space<semaphore_mem>>)
        %dma_start3A_74 = arith.constant 0 : i32
        %dma_start3A_75 = tpu.memref_slice %arg5[%dma_start3A_74] : memref<16777216xf32, #tpu.memory_space<hbm>> -> memref<16777216xf32, #tpu.memory_space<hbm>>
        tpu.enqueue_indirect_dma source(%dma_start3A_75 : memref<16777216xf32, #tpu.memory_space<hbm>>) target(%arg36 : memref<2000xf32, #tpu.memory_space<vmem>>) offsets(%arg20 : memref<2000xi32, #tpu.memory_space<vmem>>) semaphore(%arg53 : memref<!tpu.dma_semaphore, #tpu.memory_space<semaphore_mem>>)
      } else {
      }
      %lt3A_35 = arith.constant 500 : i32
      %lt3A_36 = arith.cmpi slt, %add3A_17, %lt3A_35 : i32
      %convert_element_type3A_37 = arith.extui %lt3A_36 : i1 to i32
      %cond3A_38 = arith.constant 0 : i32
      %cond3A_39 = arith.cmpi ne, %convert_element_type3A_37, %cond3A_38 : i32
      scf.if %cond3A_39 {
        %dma_wait3A = arith.constant 0 : i32
        %dma_wait3A_41 = tpu.memref_slice %arg5[%dma_wait3A] : memref<16777216xf32, #tpu.memory_space<hbm>> -> memref<16777216xf32, #tpu.memory_space<hbm>>
        tpu.wait_indirect_dma semaphore(%arg54 : memref<!tpu.dma_semaphore, #tpu.memory_space<semaphore_mem>>) src(%dma_wait3A_41 : memref<16777216xf32, #tpu.memory_space<hbm>>) dst(%arg37 : memref<2000xf32, #tpu.memory_space<vmem>>)
        %dma_wait3A_42 = arith.constant 0 : i32
        %dma_wait3A_43 = tpu.memref_slice %arg5[%dma_wait3A_42] : memref<16777216xf32, #tpu.memory_space<hbm>> -> memref<16777216xf32, #tpu.memory_space<hbm>>
        tpu.wait_indirect_dma semaphore(%arg54 : memref<!tpu.dma_semaphore, #tpu.memory_space<semaphore_mem>>) src(%dma_wait3A_43 : memref<16777216xf32, #tpu.memory_space<hbm>>) dst(%arg38 : memref<2000xf32, #tpu.memory_space<vmem>>)
        %dma_wait3A_44 = arith.constant 0 : i32
        %dma_wait3A_45 = tpu.memref_slice %arg5[%dma_wait3A_44] : memref<16777216xf32, #tpu.memory_space<hbm>> -> memref<16777216xf32, #tpu.memory_space<hbm>>
        tpu.wait_indirect_dma semaphore(%arg54 : memref<!tpu.dma_semaphore, #tpu.memory_space<semaphore_mem>>) src(%dma_wait3A_45 : memref<16777216xf32, #tpu.memory_space<hbm>>) dst(%arg39 : memref<2000xf32, #tpu.memory_space<vmem>>)
        %dma_wait3A_46 = arith.constant 0 : i32
        %dma_wait3A_47 = tpu.memref_slice %arg5[%dma_wait3A_46] : memref<16777216xf32, #tpu.memory_space<hbm>> -> memref<16777216xf32, #tpu.memory_space<hbm>>
        tpu.wait_indirect_dma semaphore(%arg54 : memref<!tpu.dma_semaphore, #tpu.memory_space<semaphore_mem>>) src(%dma_wait3A_47 : memref<16777216xf32, #tpu.memory_space<hbm>>) dst(%arg40 : memref<2000xf32, #tpu.memory_space<vmem>>)
        %dma_wait3A_48 = arith.constant 0 : i32
        %dma_wait3A_49 = tpu.memref_slice %arg5[%dma_wait3A_48] : memref<16777216xf32, #tpu.memory_space<hbm>> -> memref<16777216xf32, #tpu.memory_space<hbm>>
        tpu.wait_indirect_dma semaphore(%arg54 : memref<!tpu.dma_semaphore, #tpu.memory_space<semaphore_mem>>) src(%dma_wait3A_49 : memref<16777216xf32, #tpu.memory_space<hbm>>) dst(%arg41 : memref<2000xf32, #tpu.memory_space<vmem>>)
        %dma_wait3A_50 = arith.constant 0 : i32
        %dma_wait3A_51 = tpu.memref_slice %arg5[%dma_wait3A_50] : memref<16777216xf32, #tpu.memory_space<hbm>> -> memref<16777216xf32, #tpu.memory_space<hbm>>
        tpu.wait_indirect_dma semaphore(%arg54 : memref<!tpu.dma_semaphore, #tpu.memory_space<semaphore_mem>>) src(%dma_wait3A_51 : memref<16777216xf32, #tpu.memory_space<hbm>>) dst(%arg42 : memref<2000xf32, #tpu.memory_space<vmem>>)
        %dma_wait3A_52 = arith.constant 0 : i32
        %dma_wait3A_53 = tpu.memref_slice %arg5[%dma_wait3A_52] : memref<16777216xf32, #tpu.memory_space<hbm>> -> memref<16777216xf32, #tpu.memory_space<hbm>>
        tpu.wait_indirect_dma semaphore(%arg54 : memref<!tpu.dma_semaphore, #tpu.memory_space<semaphore_mem>>) src(%dma_wait3A_53 : memref<16777216xf32, #tpu.memory_space<hbm>>) dst(%arg43 : memref<2000xf32, #tpu.memory_space<vmem>>)
        %dma_wait3A_54 = arith.constant 0 : i32
        %dma_wait3A_55 = tpu.memref_slice %arg5[%dma_wait3A_54] : memref<16777216xf32, #tpu.memory_space<hbm>> -> memref<16777216xf32, #tpu.memory_space<hbm>>
        tpu.wait_indirect_dma semaphore(%arg54 : memref<!tpu.dma_semaphore, #tpu.memory_space<semaphore_mem>>) src(%dma_wait3A_55 : memref<16777216xf32, #tpu.memory_space<hbm>>) dst(%arg44 : memref<2000xf32, #tpu.memory_space<vmem>>)
        %scan3A_56 = arith.constant 0 : i32
        %scan3A_57 = arith.constant 0 : i32
        %scan3A_58 = arith.constant 125 : i32
        %scan3A_59 = arith.addi %scan3A_57, %scan3A_58 : i32
        %scan3A_60 = arith.constant 1 : i32
        %scan3A_61 = scf.for %scan3A_65 = %scan3A_57 to %scan3A_59 step %scan3A_60 iter_args(%scan3A_66 = %scan3A_56) -> (i32)  : i32 {
          %mul3A_67 = arith.constant 16 : i32
          %mul3A_68 = arith.muli %scan3A_65, %mul3A_67 : i32
          %get3A = arith.index_cast %mul3A_68 : i32 to index
          %get3A_69 = tpu.vector_load %arg48[%get3A] {strides = array<i32>} : memref<2000xf32, #tpu.memory_space<vmem>>, vector<16xf32>,
          %get3A_70 = arith.index_cast %mul3A_68 : i32 to index
          %get3A_71 = tpu.vector_load %arg49[%get3A_70] {strides = array<i32>} : memref<2000xf32, #tpu.memory_space<vmem>>, vector<16xf32>,
          %get3A_72 = arith.index_cast %mul3A_68 : i32 to index
          %get3A_73 = tpu.vector_load %arg50[%get3A_72] {strides = array<i32>} : memref<2000xf32, #tpu.memory_space<vmem>>, vector<16xf32>,
          %get3A_74 = arith.index_cast %mul3A_68 : i32 to index
          %get3A_75 = tpu.vector_load %arg37[%get3A_74] {strides = array<i32>} : memref<2000xf32, #tpu.memory_space<vmem>>, vector<16xf32>,
          %get3A_76 = arith.index_cast %mul3A_68 : i32 to index
          %get3A_77 = tpu.vector_load %arg38[%get3A_76] {strides = array<i32>} : memref<2000xf32, #tpu.memory_space<vmem>>, vector<16xf32>,
          %get3A_78 = arith.index_cast %mul3A_68 : i32 to index
          %get3A_79 = tpu.vector_load %arg39[%get3A_78] {strides = array<i32>} : memref<2000xf32, #tpu.memory_space<vmem>>, vector<16xf32>,
          %get3A_80 = arith.index_cast %mul3A_68 : i32 to index
          %get3A_81 = tpu.vector_load %arg40[%get3A_80] {strides = array<i32>} : memref<2000xf32, #tpu.memory_space<vmem>>, vector<16xf32>,
          %get3A_82 = arith.index_cast %mul3A_68 : i32 to index
          %get3A_83 = tpu.vector_load %arg41[%get3A_82] {strides = array<i32>} : memref<2000xf32, #tpu.memory_space<vmem>>, vector<16xf32>,
          %get3A_84 = arith.index_cast %mul3A_68 : i32 to index
          %get3A_85 = tpu.vector_load %arg42[%get3A_84] {strides = array<i32>} : memref<2000xf32, #tpu.memory_space<vmem>>, vector<16xf32>,
          %get3A_86 = arith.index_cast %mul3A_68 : i32 to index
          %get3A_87 = tpu.vector_load %arg43[%get3A_86] {strides = array<i32>} : memref<2000xf32, #tpu.memory_space<vmem>>, vector<16xf32>,
          %get3A_88 = arith.index_cast %mul3A_68 : i32 to index
          %get3A_89 = tpu.vector_load %arg44[%get3A_88] {strides = array<i32>} : memref<2000xf32, #tpu.memory_space<vmem>>, vector<16xf32>,
          %sub3A = arith.subf %get3A_77, %get3A_75 : vector<16xf32>
          %mul3A_90 = arith.mulf %get3A_69, %sub3A : vector<16xf32>
          %add3A_91 = arith.addf %get3A_75, %mul3A_90 : vector<16xf32>
          %sub3A_92 = arith.subf %get3A_81, %get3A_79 : vector<16xf32>
          %mul3A_93 = arith.mulf %get3A_69, %sub3A_92 : vector<16xf32>
          %add3A_94 = arith.addf %get3A_79, %mul3A_93 : vector<16xf32>
          %sub3A_95 = arith.subf %get3A_85, %get3A_83 : vector<16xf32>
          %mul3A_96 = arith.mulf %get3A_69, %sub3A_95 : vector<16xf32>
          %add3A_97 = arith.addf %get3A_83, %mul3A_96 : vector<16xf32>
          %sub3A_98 = arith.subf %get3A_89, %get3A_87 : vector<16xf32>
          %mul3A_99 = arith.mulf %get3A_69, %sub3A_98 : vector<16xf32>
          %add3A_100 = arith.addf %get3A_87, %mul3A_99 : vector<16xf32>
          %sub3A_101 = arith.subf %add3A_94, %add3A_91 : vector<16xf32>
          %mul3A_102 = arith.mulf %get3A_71, %sub3A_101 : vector<16xf32>
          %add3A_103 = arith.addf %add3A_91, %mul3A_102 : vector<16xf32>
          %sub3A_104 = arith.subf %add3A_100, %add3A_97 : vector<16xf32>
          %mul3A_105 = arith.mulf %get3A_71, %sub3A_104 : vector<16xf32>
          %add3A_106 = arith.addf %add3A_97, %mul3A_105 : vector<16xf32>
          %sub3A_107 = arith.subf %add3A_106, %add3A_103 : vector<16xf32>
          %mul3A_108 = arith.mulf %get3A_73, %sub3A_107 : vector<16xf32>
          %add3A_109 = arith.addf %add3A_103, %mul3A_108 : vector<16xf32>
          %swap3A = arith.index_cast %mul3A_68 : i32 to index
          %swap3A_110 = tpu.vector_load %arg52[%swap3A] {strides = array<i32>} : memref<2000xf32, #tpu.memory_space<vmem>>, vector<16xf32>,
          tpu.vector_store %arg52[%swap3A], %add3A_109 {strides = array<i32>} : memref<2000xf32, #tpu.memory_space<vmem>>, vector<16xf32>,
          %scan3A_111 = arith.constant 0 : i32
          scf.yield %scan3A_111 : i32
        }
        %scan3A_62 = arith.constant 125 : i32
        %mul3A_63 = arith.constant 2000 : i32
        %mul3A_64 = arith.muli %add3A_17, %mul3A_63 : i32
        "tpu.region"() ({
          %run_scoped3A = tpu.sem_alloc : memref<!tpu.dma_semaphore, #tpu.memory_space<semaphore_mem>>
          %dma_start3A = tpu.memref_slice %arg6[%mul3A_64] : memref<1000000xf32, #tpu.memory_space<hbm>> -> memref<2000xf32, #tpu.memory_space<hbm>>
          %dma_start3A_65 = tpu.memref_slice %arg6[%mul3A_64] : memref<1000000xf32, #tpu.memory_space<hbm>> -> memref<2000xf32, #tpu.memory_space<hbm>>
          tpu.enqueue_dma source(%arg52 : memref<2000xf32, #tpu.memory_space<vmem>>) target(%dma_start3A_65 : memref<2000xf32, #tpu.memory_space<hbm>>) target_semaphore(%run_scoped3A : memref<!tpu.dma_semaphore, #tpu.memory_space<semaphore_mem>>)
          %dma_wait3A_66 = tpu.memref_slice %arg6[%mul3A_64] : memref<1000000xf32, #tpu.memory_space<hbm>> -> memref<2000xf32, #tpu.memory_space<hbm>>
          %dma_wait3A_67 = tpu.memref_slice %arg6[%mul3A_64] : memref<1000000xf32, #tpu.memory_space<hbm>> -> memref<2000xf32, #tpu.memory_space<hbm>>
          tpu.wait_dma2 semaphore(%run_scoped3A : memref<!tpu.dma_semaphore, #tpu.memory_space<semaphore_mem>>) src(%arg52 : memref<2000xf32, #tpu.memory_space<vmem>>) dst(%dma_wait3A_67 : memref<2000xf32, #tpu.memory_space<hbm>>)
          tpu.yield
        }) : () -> ()
      } else {
      }
      %scan3A_40 = arith.constant 0 : i32
      scf.yield %scan3A_40 : i32
    }
    %scan3A_8 = arith.constant 8 : i32
    return
  }
}

</mosaic_0001>

<sc_bundles>
// kernel: kernel.3.cloned.1.call-start
scs
__scs_entry_jumppad:
0x0: {  	(pc) =	sbr.rel $0x88, $3  }
0x1: {  	(tag) =	ssettag $0x0;
	lr =	simm.s32 $0x1  }
0x2: {  	[smem:$0x3F9F] =	sst lr;
	_ =	strace $0xD0000000  }
0x3: {  	_ = 	snop  }
0x4: {  	_ = 	snop  }
0x5: {  	_ = 	snop  }
0x6: {  	_ = 	snop  }
0x7: {  	_ = 	snop  }
__scs_overlays_trampoline_lowered:
0x8: {  	[smem:$0x3FAE] =	sst s0  }
0x9: {  	[smem:$0x3FAF] =	sst s1  }
0xa: {  	[smem:$0x3FB0] =	sst s2  }
0xb: {  	[smem:$0x3FB1] =	sst s3  }
0xc: {  	[smem:$0x3FB2] =	sst s4  }
0xd: {  	[smem:$0x3FB3] =	sst s5  }
0xe: {  	[smem:$0x3FB4] =	sst s6  }
0xf: {  	[smem:$0x3FB5] =	sst s7  }
0x10: {  	[smem:$0x3FB6] =	sst s8  }
0x11: {  	[smem:$0x3FB7] =	sst s9;
	s0 =	simm.s32 @!p0 $0x0  }
0x12: {  	s1 =	sld [smem:$0x3F9D];
	s0 =	simm.s32 @p0 $0x1  }
0x13: {  	[smem:$0x3FB8] =	sst s0;
	s0 =	simm.s32 @!p1 $0x0  }
0x14: {  	s2 =	sld [smem:$0x3F9C];
	s0 =	simm.s32 @p1 $0x1  }
0x15: {  	[smem:$0x3FB9] =	sst s0;
	s0 =	simm.s32 @!p2 $0x0  }
0x16: {  	s3 =	sld [smem:$0x3FDB];
	s0 =	simm.s32 @p2 $0x1  }
0x17: {  	s4 =	simm.s32 $0x1BF5;
	[smem:$0x3FBB] =	sst s0  }
0x18: {  	s0 =	sld [smem:$0x3F9E];
	_ =	swait.ge [sflag:s4], $0x0  }
0x19: {  	s7 =	sld [smem:$0x3F9F]  }
0x1a: {  	s8 =	sadd.s32 $0xFFFFE003, lr  }
0x1b: {  	s9 =	sadd.s32 $0xFFFFFEF7, lr;
	s5 =	simm.s32 $0xFFFFFFFF;
	p2 =	slt.u32 s8, $0xFFFFF086  }
0x1c: {  	p1 =	slt.u32 s9, $0xF7A;
	s5 =	simm.s32 @!p2 $0x0  }
0x1d: {  	s5 =	simm.s32 @p1 $0x1;
	p0 =	seq.s32 s7, s2  }
0x1e: {  	s7 =	smul.u32 @!p0 $0xF7A, s2;
	p2 =	seq.s32 @!p0 s5, $0x0  }
0x1f: {  	s9 =	smul.u32 $0xF7A, s1;
	s8 =	simm.s32 @!p0 $0x1BF5;
	p2 =	por !p2, p0  }
0x20: {  	[sflag:s8] =	ssyncset.s32 @!p0 $0xFFFFF086;
	s6 =	sadd.s32 @!p0 s3, s7;
	s7 =	simm.s32 @!p0 $0x108  }
0x21: {  	s3 =	sadd.s32 s3, s9;
	s6 =	sadd.s32 @!p0 $0x88, s6;
	s7 =	simm.s32 @p2 $0x1082  }
0x22: {  	[simem:s7], [sflag:s8] =	dma.local @!p0 [hbm:s6], $0xF7A  }
0x23: {  	s9 =	sor.u32 $0xD0000000, s2;
	s6 =	simm.s32 $0x108;
	_ =	swait.ge @!p0 [sflag:s8], $0x0  }
0x24: {  	s3 =	sadd.s32 $0x88, s3;
	s6 =	simm.s32 @!p1 $0x1082;
	[sflag:s4] =	ssyncset.s32 $0xFFFFF086  }
0x25: {  	[simem:s6], [sflag:s4] =	dma.local [hbm:s3], $0xF7A  }
0x26: {  	[smem:$0x3F9F] =	sst s1;
	(tag) =	ssettag s2;
	_ =	strace s9  }
0x27: {  	s1 =	sld [smem:$0x3FAF]  }
0x28: {  	s2 =	sld [smem:$0x3FB0]  }
0x29: {  	s4 =	sld [smem:$0x3FB2]  }
0x2a: {  	p0 =	seq.s32 s5, $0x0;
	s5 =	sld [smem:$0x3FB3]  }
0x2b: {  	s6 =	sld [smem:$0x3FB4]  }
0x2c: {  	s7 =	sld [smem:$0x3FB5]  }
0x2d: {  	s3 =	simm.s32 $0x108;
	s8 =	sld [smem:$0x3FB6]  }
0x2e: {  	s3 =	simm.s32 @!p0 $0x1082;
	s9 =	sld [smem:$0x3FB7]  }
0x2f: {  	lr =	sadd.s32 s0, s3;
	s0 =	sld [smem:$0x3FAE]  }
0x30: {  	s3 =	sld [smem:$0x3FB1]  }
0x31: {  	[smem:$0x3FBA] =	sst s10  }
0x32: {  	s10 =	sld [smem:$0x3FB8];
	_ =	sdelay $0x3  }
0x33: {  	p0 =	seq.s32 s10, $0x1;
	s10 =	sld [smem:$0x3FBA];
	_ =	sdelay $0x3  }
0x34: {  	[smem:$0x3FBA] =	sst s10  }
0x35: {  	s10 =	sld [smem:$0x3FB9];
	_ =	sdelay $0x3  }
0x36: {  	p1 =	seq.s32 s10, $0x1;
	s10 =	sld [smem:$0x3FBA];
	_ =	sdelay $0x3  }
0x37: {  	[smem:$0x3FBA] =	sst s10  }
0x38: {  	s10 =	sld [smem:$0x3FBB]  }
0x39: {  	_ = 	snop;
	(pc) =	sbr.ind lr, $3  }
0x3a: {  	_ = 	snop  }
0x3b: {  	_ = 	snop  }
0x3c: {  	p2 =	seq.s32 s10, $0x1;
	s10 =	sld [smem:$0x3FBA]  }
0x3d: {  	_ =	shalt  }
0x3e: {  	_ =	shalt  }
0x3f: {  	_ =	shalt  }
0x40: {  	_ =	shalt  }
0x41: {  	_ =	shalt  }
0x42: {  	_ =	shalt  }
0x43: {  	_ =	shalt  }
0x44: {  	_ =	shalt  }
0x45: {  	_ =	shalt  }
0x46: {  	_ =	shalt  }
0x47: {  	_ =	shalt  }
0x48: {  	_ =	shalt  }
0x49: {  	_ =	shalt  }
0x4a: {  	_ =	shalt  }
0x4b: {  	_ =	shalt  }
0x4c: {  	_ =	shalt  }
0x4d: {  	_ =	shalt  }
0x4e: {  	_ =	shalt  }
0x4f: {  	_ =	shalt  }
0x50: {  	_ =	shalt  }
0x51: {  	_ =	shalt  }
0x52: {  	_ =	shalt  }
0x53: {  	_ =	shalt  }
0x54: {  	_ =	shalt  }
0x55: {  	_ =	shalt  }
0x56: {  	_ =	shalt  }
0x57: {  	_ =	shalt  }
0x58: {  	_ =	shalt  }
0x59: {  	_ =	shalt  }
0x5a: {  	_ =	shalt  }
0x5b: {  	_ =	shalt  }
0x5c: {  	_ =	shalt  }
0x5d: {  	_ =	shalt  }
0x5e: {  	_ =	shalt  }
0x5f: {  	_ =	shalt  }
0x60: {  	_ =	shalt  }
0x61: {  	_ =	shalt  }
0x62: {  	_ =	shalt  }
0x63: {  	_ =	shalt  }
0x64: {  	_ =	shalt  }
0x65: {  	_ =	shalt  }
0x66: {  	_ =	shalt  }
0x67: {  	_ =	shalt  }
0x68: {  	_ =	shalt  }
0x69: {  	_ =	shalt  }
0x6a: {  	_ =	shalt  }
0x6b: {  	_ =	shalt  }
0x6c: {  	_ =	shalt  }
0x6d: {  	_ =	shalt  }
0x6e: {  	_ =	shalt  }
0x6f: {  	_ =	shalt  }
0x70: {  	_ =	shalt  }
0x71: {  	_ =	shalt  }
0x72: {  	_ =	shalt  }
0x73: {  	_ =	shalt  }
0x74: {  	_ =	shalt  }
0x75: {  	_ =	shalt  }
0x76: {  	_ =	shalt  }
0x77: {  	_ =	shalt  }
0x78: {  	_ =	shalt  }
0x79: {  	_ =	shalt  }
0x7a: {  	_ =	shalt  }
0x7b: {  	_ =	shalt  }
0x7c: {  	_ =	shalt  }
0x7d: {  	_ =	shalt  }
0x7e: {  	_ =	shalt  }
0x7f: {  	_ =	shalt  }
0x80: {  	_ =	shalt  }
0x81: {  	_ =	shalt  }
0x82: {  	_ =	shalt  }
0x83: {  	_ =	shalt  }
0x84: {  	_ =	shalt  }
0x85: {  	_ =	shalt  }
0x86: {  	_ =	shalt  }
0x87: {  	_ =	shalt  }
.Lfunc_end0:
.L_simem_size_0:
called_computation_lowered:
.L_overlay_start_0:
0x88: {  	s2 =	sld [smem:$0x3FD9]  }
0x89: {  	s3 =	sld [smem:$0x3FFE];
	_ =	sdelay $0x1  }
0x8a: {  	s1 =	srdreg.scid  }
0x8b: {  	s0 =	sand.u32 $0x1, s1  }
0x8c: {  	s17 =	sshll.u32 s0, $0xA;
	s2 =	sadd.s32 s3, s2  }
0x8d: {  	s2 =	sadd.s32 s2, s17  }
0x8e: {  	[smem:$0x3FC6] =	sst s2  }
0x8f: {  	_ = 	snop  }
0x90: {  	s2 =	sld [smem:$0x3FC8];
	(tm) =	ssettm $0x1  }
0x91: {  	s18 =	sld [smem:$0x3FFB];
	_ =	sdelay $0x3  }
0x92: {  	_ =	strace s18  }
0x93: {  	s3 =	sld [smem:$0x3FFC];
	_ =	sdelay $0x3  }
0x94: {  	_ =	strace s3  }
0x95: {  	s3 =	sld [smem:$0x3FFD];
	_ =	sdelay $0x3  }
0x96: {  	_ =	strace s3  }
0x97: {  	_ =	strace $0x8FFFFFFF  }
0x98: {  	s19 =	sld [smem:$0x3FDB];
	_ =	sdelay $0x1  }
0x99: {  	s4 =	simm.s32 $_scs_section_size  }
0x9a: {  	s5 =	simm.s32 $_size__tile_overlayer_lowered;
	s6 =	simm.s32 $_tile_overlayer_lowered  }
0x9b: {  	s22 =	simm.s32 $0x1BFF;
	s21 =	sshll.u32 s6, $0x1;
	s3 =	sadd.s32 s4, s19  }
0x9c: {  	s7 =	simm.s32 $0x0;
	s20 =	sshll.u32 s5, $0x1;
	s5 =	sadd.s32 s21, s3  }
0x9d: {  	[timem:s7], [sflag:s22] =	dma.local [hbm:s5], s20  }
0x9e: {  	_ =	swait.ge [sflag:s22], s20  }
0x9f: {  	s4 =	ssub.s32 $0x0, s20;
	[sflag:s22] =	ssyncset.done $0x0  }
0xa0: {  	[sflag:s22] =	ssyncadd.s32 s4;
	_ =	sdelay $0x1  }
0xa1: {  	s23 =	simm.s32 $0x1B8B  }
0xa2: {  	_ =	swait.ge [sflag:s23], $0x1  }
0xa3: {  	[sflag:s23] =	ssyncset.done $0x0  }
0xa4: {  	s25 =	simm.s32 $0x1B8E;
	s24 =	sld [smem:$0x3FFE];
	[sflag:s23] =	ssyncadd.s32 $0xFFFFFFFF  }
0xa5: {  	s26 =	simm.s32 $execute0_lowered;
	[smem:$0x3FD2] =	sst s25  }
0xa6: {  	s5 =	sshll.u32 s26, $0x1;
	_ =	strace $0x80000046;
	[dreg:$0x1] =	wrdreg $0xFFFFFFFF  }
0xa7: {  	s28 =	simm.s32 $_size_execute0_lowered;
	s3 =	sadd.s32 s3, s5;
	[dreg:$0x0] =	wrdreg $0x0  }
0xa8: {  	s5 =	sshll.u32 s28, $0x1;
	[dreg:$0x2] =	wrdreg s3  }
0xa9: {  	[dreg:$0x3] =	wrdreg s5  }
0xaa: {  	[dreg:$0x4] =	wrdreg $0xC0  }
0xab: {  	_ =	task [dreg:s7], $0x5FFFF  }
0xac: {  	[dreg:$0x1] =	wrdreg $0xFFFFFFFF  }
0xad: {  	[dreg:$0x0] =	wrdreg $0x60  }
0xae: {  	[dreg:$0x2] =	wrdreg s24  }
0xaf: {  	[dreg:$0x3] =	wrdreg s2  }
0xb0: {  	[dreg:$0x4] =	wrdreg $0x9  }
0xb1: {  	_ =	task.clear_ibuf [dreg:s7], $0x5FFFF;
	_ =	strace $0x90000046  }
0xb2: {  	s29 =	simm.s32 $0x9;
	_ =	strace $0x80000048  }
0xb3: {  	_ =	swait.ge [sflag:s29], $0x1  }
0xb4: {  	[sflag:s29] =	ssyncadd.s32 $0xFFFFFFFF  }
0xb5: {  	_ =	strace $0x90000048  }
0xb6: {  	_ =	sfence  }
0xb7: {  	s30 =	sld [smem:$0x0];
	_ =	sdelay $0x2  }
0xb8: {  	s31 =	sshll.u32 s1, $0xD;
	s1 =	sshrl.u32 s1, $0x2  }
0xb9: {  	s3 =	sand.u32 $0x4000, s31;
	s1 =	sadd.s32 s1, s30  }
0xba: {  	s0 =	sor.u32 s3, s0;
	s1 =	sshll.u32 s1, $0x11  }
0xbb: {  	s0 =	sor.u32 s1, s0  }
0xbc: {  	s0 =	sadd.s32 $0x8F2B, s0  }
0xbd: {  	[sflag:s0] =	ssyncadd.remote.s32 $0x1  }
0xbe: {  	_ =	sfence.sel $0xFFFF  }
0xbf: {  	[dreg:$0x0] =	wrdreg $0xFFFFFFFF;
	(pc) =	sbr.abs _section_cstart, $3  }
0xc0: {  	[dreg:$0x1] =	wrdreg $0xFFFFFFFF  }
0xc1: {  	_ =	task.clear_ibuf [dreg:s7], $0x2FFFF;
	_ =	strace $0x9FFFFFFF  }
0xc2: {  	(tm) =	ssettm $0x7FFFFFFF  }
0xc3: {  	_ =	shalt  }
tec
execute0_lowered:
.L_overlay_start_1:
0x0: {  	(tag) =	ssettag $0x1  }
0x1: {  	s1 =	rddreg [dreg:$0x0]  }
0x2: {  	s3 =	rddreg [dreg:$0x1]  }
0x3: {  	s4 =	simm.s32 $0x0;
	s0 =	srdreg.scid;
	s2 =	stileid.u32  }
0x4: {  	s15 =	simm.s32 $0x3;
	s16 =	simm.s32 $0x7D0;
	s24 =	simm.s32 $0xC800  }
0x5: {  	s28 =	simm.s32 $0x5800;
	s29 =	simm.s32 $0xD800;
	s30 =	simm.s32 $0x6000  }
0x6: {  	s31 =	simm.s32 $0xE000;
	s12 =	simm.s32 $0x1;
	s10 =	simm.s32 $0x5  }
0x7: {  	s11 =	simm.s32 $0x2;
	s0 =	sand.u32 $0x1, s0;
	s2 =	sshll.u32 s2, $0x1  }
0x8: {  	s13 =	simm.s32 $0x16800;
	s14 =	simm.s32 $0x4;
	s5 =	sor.u32 s0, s2  }
0x9: {  	s18 =	simm.s32 $0x0;
	[smem:$0x7FF] =	sst s4;
	s2 =	smul.u32 $0xFA, s5  }
0xa: {  	s6 =	sadd.s32 $0x3D400, s1;
	s7 =	sadd.s32 $0x1EA00, s1;
	s0 =	ssub.s32 $0x2, s0  }
0xb: {  	_ =	strace $0x80000047;
	s9 =	sshrl.u32 s0, $0x1;
	s25 =	sadd.s32 s6, s2  }
.Ltmp0:
0xc: {  	s26 =	sadd.s32 s7, s2;
	[dreg:$0x3] =	wrdreg s25;
	(pc) =	sbr.rel .LBB2_1-.Ltmp0, $4  }
0xd: {  	s0 =	ssub.s32 s0, s9;
	s2 =	sadd.s32 s1, s2;
	[dreg:$0x4] =	wrdreg s26  }
0xe: {  	s8 =	sadd.s32 $0x5BE00, s1;
	s0 =	smax.u32 s0, $0x1;
	[dreg:$0x5] =	wrdreg s2  }
0xf: {  	s9 =	simm.s32 $0x16000;
	[dreg:$0x6] =	wrdreg s0;
	s25 =	simm.s32 $0x5000  }
0x10: {  	s26 =	simm.s32 $0xD000;
	s0 =	simm.s32 $0x6800;
	s2 =	simm.s32 $0xE800  }
.LBB2_19:
0x11: {  	s18 =	rddreg [dreg:$0x7]  }
0x12: {  	s17 =	rddreg [dreg:$0x6];
	s18 =	sadd.s32 $0x1, s18  }
0x13: {  	p0 =	sne.s32 s18, s17  }
.Ltmp1:
0x14: {  	_ = 	snop;
	(pc) =	sbr.rel @!p0 .LBB2_20-.Ltmp1, $1  }
0x15: {  	_ =	sdelay $0x3  }
.LBB2_1:
0x16: {  	[dreg:$0x7] =	wrdreg s18  }
0x17: {  	s17 =	rddreg [dreg:$0x3]  }
0x18: {  	[tilespmem:s4], [sflag:$0x3] =	stream.linear.gather [hbm4b:s17+s4], $0x7D0, $0x38;
	[tilespmem:$0x17000] =	vst v63  }
0x19: {  	s20 =	rddreg [dreg:$0x4];
	s21 =	simm.s32 $0x800  }
0x1a: {  	[tilespmem:s21], [sflag:$0x3] =	stream.linear.gather [hbm4b:s20+s4], $0x7D0, $0x38;
	[tilespmem:$0x17000] =	vst v63  }
0x1b: {  	s22 =	rddreg [dreg:$0x5];
	s23 =	simm.s32 $0x1000  }
0x1c: {  	[tilespmem:s23], [sflag:$0x3] =	stream.linear.gather [hbm4b:s22+s4], $0x7D0, $0x38;
	[tilespmem:$0x17000] =	vst v63  }
0x1d: {  	_ =	swait.ge [sflag:s15], $0x7D0  }
0x1e: {  	[sflag:s15] =	ssyncset.done $0x0  }
0x1f: {  	[sflag:s15] =	ssyncadd.s32 $0xFFFFF830  }
0x20: {  	_ =	swait.ge [sflag:s15], $0x7D0  }
0x21: {  	[sflag:s15] =	ssyncset.done $0x0  }
0x22: {  	[sflag:s15] =	ssyncadd.s32 $0xFFFFF830  }
0x23: {  	_ =	swait.ge [sflag:s15], $0x7D0  }
0x24: {  	[sflag:s15] =	ssyncset.done $0x0  }
0x25: {  	s18 =	simm.s32 $0x0;
	[sflag:s15] =	ssyncadd.s32 $0xFFFFF830  }
0x26: {  	v0 =	vld [tilespmem:s18+$0x0]  }
0x27: {  	v1 =	vld [tilespmem:s18+$0x1000]  }
0x28: {  	v2 =	vld [tilespmem:s18+$0x800];
	_ =	sdelay $0x3  }
0x29: {  	v0 =	vmul.f32 $1.159090880e+02, v0  }
0x2a: {  	v1 =	vmul.f32 $1.159090880e+02, v1;
	v3 =	vmul.f32 $1.159090880e+02, v2  }
0x2b: {  	v0 =	vadd.f32 $1.275000000e+02, v0  }
0x2c: {  	v2 =	vadd.f32 $1.275000000e+02, v1;
	v1 =	vadd.f32 $1.275000000e+02, v3  }
0x2d: {  	v3 =	vtrunc.f32 v0  }
0x2e: {  	v4 =	vtrunc.f32 v2;
	v5 =	vtrunc.f32 v1  }
0x2f: {  	v5 =	vcvt.f32.s32 v5;
	v3 =	vcvt.f32.s32 v3  }
0x30: {  	v4 =	vcvt.f32.s32 v4  }
0x31: {  	v7 =	vadd.s32 $0x1, v5;
	v10 =	vshll.u32 v5, $0x8;
	v6 =	vshll.u32 v3, $0x10  }
0x32: {  	v8 =	vadd.s32 $0x1, v4;
	v9 =	vshll.u32 v7, $0x8;
	v7 =	vshll.u32 v7, $0x7  }
0x33: {  	s17 =	simm.s32 $0x10;
	v11 =	vshll.u32 v8, $0x3;
	v9 =	vand.u32 $0xFFFFF800, v9;
	v12 =	vand.u32 $0x380, v7  }
0x34: {  	v13 =	vand.u32 $0x7F, v8;
	v8 =	vld [tilespmem:s17+$0x1000];
	v11 =	vand.u32 $0xFFFFFC00, v11;
	v9 =	vor.u32 v12, v9  }
0x35: {  	s19 =	simm.s32 $0x80;
	v7 =	vld [tilespmem:s17+$0x0];
	v11 =	vor.u32 v13, v11;
	v12 =	vshll.u32 v5, $0x7;
	v9 =	vadd.s32 v6, v9  }
.LBB2_2:
0x36: {  	p0 =	sne.s32 s19, $0x1F00;
	v13 =	vld [tilespmem:s17+$0x800];
	v10 =	vand.u32 $0xFFFFF800, v10;
	v12 =	vand.u32 $0x380, v12;
	v14 =	vadd.s32 v11, v9  }
0x37: {  	v15 =	vshll.u32 v4, $0x3;
	v10 =	vor.u32 v12, v10;
	[tilespmem:s18+$0x4800] =	vst v14;
	v12 =	vadd.s32 $0x10000, v14  }
0x38: {  	v5 =	vcvt.s32.f32 v5;
	v14 =	vcvt.s32.f32 v4;
	v15 =	vand.u32 $0xFFFFFC00, v15;
	[tilespmem:s18+$0x6800] =	vst v12  }
0x39: {  	v3 =	vcvt.s32.f32 v3;
	v4 =	vand.u32 $0x7F, v4;
	v6 =	vadd.s32 v6, v10  }
0x3a: {  	v4 =	vor.u32 v4, v15;
	v7 =	vmul.f32 $1.159090880e+02, v7;
	v10 =	vadd.s32 v6, v11  }
0x3b: {  	v9 =	vadd.s32 v4, v9;
	v8 =	vmul.f32 $1.159090880e+02, v8;
	v11 =	vmul.f32 $1.159090880e+02, v13;
	[tilespmem:s18+$0x3800] =	vst v10  }
0x3c: {  	v12 =	vsub.f32 v2, v14;
	v4 =	vadd.s32 v4, v6;
	v7 =	vadd.f32 $1.275000000e+02, v7;
	[tilespmem:s18+$0x4000] =	vst v9  }
0x3d: {  	v2 =	vadd.f32 $1.275000000e+02, v8;
	v8 =	vadd.s32 $0x10000, v9;
	v6 =	vadd.f32 $1.275000000e+02, v11;
	[tilespmem:s18+$0x3000] =	vst v4  }
0x3e: {  	v13 =	vsub.f32 v0, v3;
	v9 =	vtrunc.f32 v7;
	v11 =	vsub.f32 v1, v5;
	v0 =	vmovc v7;
	[tilespmem:s18+$0x6000] =	vst v8  }
0x3f: {  	v4 =	vadd.s32 $0x10000, v4;
	v7 =	vtrunc.f32 v2;
	v3 =	vtrunc.f32 v6;
	[tilespmem:s18+$0x13000] =	vst v12;
	v1 =	vmovc v6  }
0x40: {  	v6 =	vadd.s32 $0x10000, v10;
	v5 =	vcvt.f32.s32 v3;
	v3 =	vcvt.f32.s32 v9;
	[tilespmem:s18+$0x5000] =	vst v4  }
0x41: {  	v4 =	vcvt.f32.s32 v7;
	[tilespmem:s18+$0x5800] =	vst v6  }
.Ltmp2:
0x42: {  	v7 =	vadd.s32 $0x1, v5;
	v10 =	vshll.u32 v5, $0x8;
	v6 =	vshll.u32 v3, $0x10;
	[tilespmem:s18+$0x13800] =	vst v11;
	(pc) =	sbr.rel @p0 .LBB2_2-.Ltmp2, $4  }
0x43: {  	v8 =	vadd.s32 $0x1, v4;
	v9 =	vshll.u32 v7, $0x8;
	v7 =	vshll.u32 v7, $0x7;
	[tilespmem:s18+$0x14000] =	vst v13;
	s18 =	smov.u32 s17  }
0x44: {  	s17 =	sshra.s32 s19, $0x2;
	v11 =	vshll.u32 v8, $0x3;
	v9 =	vand.u32 $0xFFFFF800, v9;
	v12 =	vand.u32 $0x380, v7  }
0x45: {  	v13 =	vand.u32 $0x7F, v8;
	v11 =	vand.u32 $0xFFFFFC00, v11;
	v7 =	vld [tilespmem:s17+$0x0];
	v9 =	vor.u32 v12, v9  }
0x46: {  	s19 =	sadd.s32 $0x40, s19;
	v11 =	vor.u32 v13, v11;
	v12 =	vshll.u32 v5, $0x7;
	v8 =	vld [tilespmem:s17+$0x1000];
	v9 =	vadd.s32 v6, v9  }
0x47: {  	v10 =	vand.u32 $0xFFFFF800, v10  }
0x48: {  	v13 =	vld [tilespmem:s17+$0x800];
	v12 =	vand.u32 $0x380, v12;
	v14 =	vadd.s32 v11, v9;
	v36 =	vcvt.s32.f32 v4  }
0x49: {  	v35 =	vshll.u32 v4, $0x3;
	v5 =	vcvt.s32.f32 v5;
	v3 =	vcvt.s32.f32 v3  }
0x4a: {  	v37 =	vand.u32 $0x7F, v4;
	v10 =	vor.u32 v12, v10;
	v15 =	vadd.s32 $0x10000, v14  }
0x4b: {  	v12 =	vand.u32 $0xFFFFFC00, v35;
	v6 =	vadd.s32 v6, v10;
	v7 =	vmul.f32 $1.159090880e+02, v7  }
0x4c: {  	v4 =	vor.u32 v37, v12;
	v2 =	vsub.f32 v2, v36;
	v8 =	vmul.f32 $1.159090880e+02, v8  }
0x4d: {  	v1 =	vsub.f32 v1, v5;
	v38 =	vmul.f32 $1.159090880e+02, v13;
	v7 =	vadd.f32 $1.275000000e+02, v7  }
0x4e: {  	v0 =	vsub.f32 v0, v3;
	v39 =	vadd.s32 v6, v11;
	v8 =	vadd.f32 $1.275000000e+02, v8  }
0x4f: {  	[tilespmem:s18+$0x4800] =	vst v14;
	v40 =	vadd.s32 v4, v9;
	v41 =	vadd.f32 $1.275000000e+02, v38;
	v43 =	vtrunc.f32 v7  }
0x50: {  	[tilespmem:s18+$0x6800] =	vst v15;
	v4 =	vadd.s32 v4, v6;
	v44 =	vtrunc.f32 v8;
	v12 =	vcvt.f32.s32 v43  }
0x51: {  	v42 =	vadd.s32 $0x10000, v40;
	[tilespmem:s18+$0x3800] =	vst v39;
	v45 =	vtrunc.f32 v41;
	v5 =	vcvt.f32.s32 v44  }
0x52: {  	[tilespmem:s18+$0x4000] =	vst v40;
	v47 =	vadd.s32 $0x10000, v4;
	v11 =	vadd.s32 $0x10000, v39;
	v46 =	vcvt.f32.s32 v45  }
0x53: {  	[tilespmem:s18+$0x3000] =	vst v4;
	v49 =	vshll.u32 v12, $0x10;
	v60 =	vcvt.s32.f32 v12;
	v50 =	vadd.s32 $0x1, v5  }
0x54: {  	[tilespmem:s18+$0x13000] =	vst v2;
	v56 =	vshll.u32 v5, $0x3;
	v58 =	vand.u32 $0x7F, v5;
	v5 =	vcvt.s32.f32 v5  }
0x55: {  	[tilespmem:s18+$0x13800] =	vst v1;
	v48 =	vadd.s32 $0x1, v46;
	v13 =	vshll.u32 v46, $0x8;
	v52 =	vshll.u32 v50, $0x3  }
0x56: {  	[tilespmem:s18+$0x14000] =	vst v0;
	v6 =	vand.u32 $0x7F, v50;
	v53 =	vshll.u32 v46, $0x7;
	v3 =	vcvt.s32.f32 v46  }
0x57: {  	[tilespmem:s18+$0x6000] =	vst v42;
	v63 =	vsub.f32 v7, v60;
	v51 =	vshll.u32 v48, $0x8;
	v4 =	vshll.u32 v48, $0x7  }
0x58: {  	[tilespmem:s18+$0x5000] =	vst v47;
	v2 =	vand.u32 $0xFFFFFC00, v52;
	v54 =	vand.u32 $0xFFFFF800, v13;
	v59 =	vsub.f32 v8, v5  }
0x59: {  	[tilespmem:s18+$0x5800] =	vst v11;
	v15 =	vand.u32 $0xFFFFF800, v51;
	v4 =	vand.u32 $0x380, v4;
	v2 =	vor.u32 v6, v2  }
0x5a: {  	v6 =	vand.u32 $0x380, v53;
	v61 =	vsub.f32 v41, v3;
	[tilespmem:s17+$0x14000] =	vst v63;
	v4 =	vor.u32 v4, v15  }
0x5b: {  	v1 =	vor.u32 v6, v54;
	[tilespmem:s17+$0x13000] =	vst v59;
	v4 =	vadd.s32 v49, v4  }
0x5c: {  	v0 =	vand.u32 $0xFFFFFC00, v56;
	v1 =	vadd.s32 v49, v1;
	[tilespmem:s17+$0x13800] =	vst v61;
	v55 =	vadd.s32 v2, v4  }
0x5d: {  	v0 =	vor.u32 v58, v0;
	v2 =	vadd.s32 v1, v2;
	[tilespmem:s17+$0x4800] =	vst v55  }
0x5e: {  	v4 =	vadd.s32 v0, v4;
	[tilespmem:s17+$0x3800] =	vst v2  }
0x5f: {  	v0 =	vadd.s32 v0, v1;
	[tilespmem:s17+$0x4000] =	vst v4  }
0x60: {  	v57 =	vadd.s32 $0x10000, v55;
	[tilespmem:s17+$0x3000] =	vst v0  }
0x61: {  	v4 =	vadd.s32 $0x10000, v4;
	[tilespmem:s17+$0x6800] =	vst v57  }
0x62: {  	v0 =	vadd.s32 $0x10000, v0;
	[tilespmem:s17+$0x6000] =	vst v4  }
0x63: {  	v62 =	vadd.s32 $0x10000, v2;
	[tilespmem:s17+$0x5000] =	vst v0  }
0x64: {  	s22 =	simm.s32 $0x3000;
	s23 =	simm.s32 $0xB000;
	[tilespmem:s17+$0x5800] =	vst v62  }
0x65: {  	[tilespmem:s23], [sflag:$0x1] =	stream.indirect.gather [hbm4b:s3+s16], $0x1, s22, s16, $0xb8;
	[tilespmem:$0x17000] =	vst v63  }
0x66: {  	s19 =	simm.s32 $0x3800;
	s20 =	simm.s32 $0xB800  }
0x67: {  	[tilespmem:s20], [sflag:$0x1] =	stream.indirect.gather [hbm4b:s3+s16], $0x1, s19, s16, $0xb8;
	[tilespmem:$0x17000] =	vst v63  }
0x68: {  	s21 =	simm.s32 $0x4000;
	s22 =	simm.s32 $0xC000  }
0x69: {  	[tilespmem:s22], [sflag:$0x1] =	stream.indirect.gather [hbm4b:s3+s16], $0x1, s21, s16, $0xb8;
	[tilespmem:$0x17000] =	vst v63  }
0x6a: {  	s23 =	simm.s32 $0x4800  }
0x6b: {  	[tilespmem:s24], [sflag:$0x1] =	stream.indirect.gather [hbm4b:s3+s16], $0x1, s23, s16, $0xb8;
	[tilespmem:$0x17000] =	vst v63  }
0x6c: {  	_ = 	snop  }
0x6d: {  	[tilespmem:s26], [sflag:$0x1] =	stream.indirect.gather [hbm4b:s3+s16], $0x1, s25, s16, $0xb8;
	[tilespmem:$0x17000] =	vst v63  }
0x6e: {  	_ = 	snop  }
0x6f: {  	[tilespmem:s29], [sflag:$0x1] =	stream.indirect.gather [hbm4b:s3+s16], $0x1, s28, s16, $0xb8;
	[tilespmem:$0x17000] =	vst v63  }
.Ltmp3:
0x70: {  	_ = 	snop;
	(pc) =	sbr.rel .LBB2_4-.Ltmp3, $4  }
0x71: {  	_ = 	snop  }
0x72: {  	[tilespmem:s31], [sflag:$0x1] =	stream.indirect.gather [hbm4b:s3+s16], $0x1, s30, s16, $0xb8;
	[tilespmem:$0x17000] =	vst v63  }
0x73: {  	s17 =	simm.s32 $0x0  }
0x74: {  	[tilespmem:s2], [sflag:$0x1] =	stream.indirect.gather [hbm4b:s3+s16], $0x1, s0, s16, $0xb8;
	[tilespmem:$0x17000] =	vst v63  }
.LBB2_18:
0x75: {  	s17 =	sadd.s32 $0x1, s17  }
0x76: {  	p0 =	sne.s32 s17, $0x8  }
.Ltmp4:
0x77: {  	_ = 	snop;
	(pc) =	sbr.rel @!p0 .LBB2_19-.Ltmp4, $1  }
0x78: {  	_ =	sdelay $0x3  }
.LBB2_4:
0x79: {  	s18 =	sshll.u32 s17, $0x6  }
0x7a: {  	s19 =	sor.u32 s5, s18  }
0x7b: {  	s18 =	sor.u32 $0x20, s19  }
0x7c: {  	p0 =	sgt.u32 s18, $0x1F3  }
.Ltmp5:
0x7d: {  	_ = 	snop;
	(pc) =	sbr.rel @p0 .LBB2_8-.Ltmp5, $2  }
0x7e: {  	_ =	sdelay $0x2  }
0x7f: {  	s18 =	smul.u32 $0xFA, s18  }
0x80: {  	_ = 	snop  }
0x81: {  	s21 =	simm.s32 $0x0;
	s22 =	simm.s32 $0x1800;
	s20 =	sadd.s32 s6, s18  }
0x82: {  	[tilespmem:s22], [sflag:$0x3] =	stream.linear.gather [hbm4b:s20+s21], $0x7D0, $0x38;
	[tilespmem:$0x17000] =	vst v63  }
0x83: {  	s23 =	simm.s32 $0x2000;
	s22 =	sadd.s32 s7, s18  }
0x84: {  	[tilespmem:s23], [sflag:$0x3] =	stream.linear.gather [hbm4b:s22+s21], $0x7D0, $0x38;
	[tilespmem:$0x17000] =	vst v63  }
0x85: {  	s22 =	sadd.s32 s1, s18;
	s23 =	simm.s32 $0x2800  }
0x86: {  	[tilespmem:s23], [sflag:$0x3] =	stream.linear.gather [hbm4b:s22+s21], $0x7D0, $0x38;
	[tilespmem:$0x17000] =	vst v63  }
0x87: {  	_ =	swait.ge [sflag:s15], $0x7D0  }
0x88: {  	[sflag:s15] =	ssyncset.done $0x0  }
0x89: {  	[sflag:s15] =	ssyncadd.s32 $0xFFFFF830  }
0x8a: {  	_ =	swait.ge [sflag:s15], $0x7D0  }
0x8b: {  	[sflag:s15] =	ssyncset.done $0x0  }
0x8c: {  	[sflag:s15] =	ssyncadd.s32 $0xFFFFF830  }
0x8d: {  	_ =	swait.ge [sflag:s15], $0x7D0  }
0x8e: {  	[sflag:s15] =	ssyncset.done $0x0  }
0x8f: {  	s21 =	simm.s32 $0x0;
	[sflag:s15] =	ssyncadd.s32 $0xFFFFF830  }
0x90: {  	v0 =	vld [tilespmem:s21+$0x1800]  }
0x91: {  	v1 =	vld [tilespmem:s21+$0x2800]  }
0x92: {  	v2 =	vld [tilespmem:s21+$0x2000];
	_ =	sdelay $0x3  }
0x93: {  	v0 =	vmul.f32 $1.159090880e+02, v0  }
0x94: {  	v1 =	vmul.f32 $1.159090880e+02, v1;
	v3 =	vmul.f32 $1.159090880e+02, v2  }
0x95: {  	v0 =	vadd.f32 $1.275000000e+02, v0  }
0x96: {  	v2 =	vadd.f32 $1.275000000e+02, v1;
	v1 =	vadd.f32 $1.275000000e+02, v3  }
0x97: {  	v3 =	vtrunc.f32 v0  }
0x98: {  	v4 =	vtrunc.f32 v2;
	v5 =	vtrunc.f32 v1  }
0x99: {  	v5 =	vcvt.f32.s32 v5;
	v3 =	vcvt.f32.s32 v3  }
0x9a: {  	v4 =	vcvt.f32.s32 v4  }
0x9b: {  	v7 =	vadd.s32 $0x1, v5;
	v10 =	vshll.u32 v5, $0x8;
	v6 =	vshll.u32 v3, $0x10  }
0x9c: {  	v8 =	vadd.s32 $0x1, v4;
	v9 =	vshll.u32 v7, $0x8;
	v7 =	vshll.u32 v7, $0x7  }
0x9d: {  	s20 =	simm.s32 $0x10;
	v11 =	vshll.u32 v8, $0x3;
	v9 =	vand.u32 $0xFFFFF800, v9;
	v12 =	vand.u32 $0x380, v7  }
0x9e: {  	v13 =	vand.u32 $0x7F, v8;
	v8 =	vld [tilespmem:s20+$0x2800];
	v11 =	vand.u32 $0xFFFFFC00, v11;
	v9 =	vor.u32 v12, v9  }
0x9f: {  	s22 =	simm.s32 $0x80;
	v7 =	vld [tilespmem:s20+$0x1800];
	v11 =	vor.u32 v13, v11;
	v12 =	vshll.u32 v5, $0x7;
	v9 =	vadd.s32 v6, v9  }
.LBB2_6:
0xa0: {  	p1 =	sne.s32 s22, $0x1F00;
	v13 =	vld [tilespmem:s20+$0x2000];
	v10 =	vand.u32 $0xFFFFF800, v10;
	v12 =	vand.u32 $0x380, v12;
	v14 =	vadd.s32 v11, v9  }
0xa1: {  	v15 =	vshll.u32 v4, $0x3;
	v10 =	vor.u32 v12, v10;
	[tilespmem:s21+$0x8800] =	vst v14;
	v12 =	vadd.s32 $0x10000, v14  }
0xa2: {  	v5 =	vcvt.s32.f32 v5;
	v14 =	vcvt.s32.f32 v4;
	v15 =	vand.u32 $0xFFFFFC00, v15;
	[tilespmem:s21+$0xA800] =	vst v12  }
0xa3: {  	v3 =	vcvt.s32.f32 v3;
	v4 =	vand.u32 $0x7F, v4;
	v6 =	vadd.s32 v6, v10  }
0xa4: {  	v4 =	vor.u32 v4, v15;
	v7 =	vmul.f32 $1.159090880e+02, v7;
	v10 =	vadd.s32 v6, v11  }
0xa5: {  	v9 =	vadd.s32 v4, v9;
	v8 =	vmul.f32 $1.159090880e+02, v8;
	v11 =	vmul.f32 $1.159090880e+02, v13;
	[tilespmem:s21+$0x7800] =	vst v10  }
0xa6: {  	v12 =	vsub.f32 v2, v14;
	v4 =	vadd.s32 v4, v6;
	v7 =	vadd.f32 $1.275000000e+02, v7;
	[tilespmem:s21+$0x8000] =	vst v9  }
0xa7: {  	v2 =	vadd.f32 $1.275000000e+02, v8;
	v8 =	vadd.s32 $0x10000, v9;
	v6 =	vadd.f32 $1.275000000e+02, v11;
	[tilespmem:s21+$0x7000] =	vst v4  }
0xa8: {  	v13 =	vsub.f32 v0, v3;
	v9 =	vtrunc.f32 v7;
	v11 =	vsub.f32 v1, v5;
	v0 =	vmovc v7;
	[tilespmem:s21+$0xA000] =	vst v8  }
0xa9: {  	v4 =	vadd.s32 $0x10000, v4;
	v7 =	vtrunc.f32 v2;
	v3 =	vtrunc.f32 v6;
	[tilespmem:s21+$0x14800] =	vst v12;
	v1 =	vmovc v6  }
0xaa: {  	v6 =	vadd.s32 $0x10000, v10;
	v5 =	vcvt.f32.s32 v3;
	v3 =	vcvt.f32.s32 v9;
	[tilespmem:s21+$0x9000] =	vst v4  }
0xab: {  	v4 =	vcvt.f32.s32 v7;
	[tilespmem:s21+$0x9800] =	vst v6  }
.Ltmp6:
0xac: {  	v7 =	vadd.s32 $0x1, v5;
	v10 =	vshll.u32 v5, $0x8;
	v6 =	vshll.u32 v3, $0x10;
	[tilespmem:s21+$0x15000] =	vst v11;
	(pc) =	sbr.rel @p1 .LBB2_6-.Ltmp6, $4  }
0xad: {  	v8 =	vadd.s32 $0x1, v4;
	v9 =	vshll.u32 v7, $0x8;
	v7 =	vshll.u32 v7, $0x7;
	[tilespmem:s21+$0x15800] =	vst v13;
	s21 =	smov.u32 s20  }
0xae: {  	s20 =	sshra.s32 s22, $0x2;
	v11 =	vshll.u32 v8, $0x3;
	v9 =	vand.u32 $0xFFFFF800, v9;
	v12 =	vand.u32 $0x380, v7  }
0xaf: {  	v13 =	vand.u32 $0x7F, v8;
	v11 =	vand.u32 $0xFFFFFC00, v11;
	v7 =	vld [tilespmem:s20+$0x1800];
	v9 =	vor.u32 v12, v9  }
0xb0: {  	s22 =	sadd.s32 $0x40, s22;
	v11 =	vor.u32 v13, v11;
	v12 =	vshll.u32 v5, $0x7;
	v8 =	vld [tilespmem:s20+$0x2800];
	v9 =	vadd.s32 v6, v9  }
0xb1: {  	v10 =	vand.u32 $0xFFFFF800, v10  }
0xb2: {  	v13 =	vld [tilespmem:s20+$0x2000];
	v12 =	vand.u32 $0x380, v12;
	v14 =	vadd.s32 v11, v9;
	v36 =	vcvt.s32.f32 v4  }
0xb3: {  	v35 =	vshll.u32 v4, $0x3;
	v5 =	vcvt.s32.f32 v5;
	v3 =	vcvt.s32.f32 v3  }
0xb4: {  	v37 =	vand.u32 $0x7F, v4;
	v10 =	vor.u32 v12, v10;
	v15 =	vadd.s32 $0x10000, v14  }
0xb5: {  	v12 =	vand.u32 $0xFFFFFC00, v35;
	v6 =	vadd.s32 v6, v10;
	v7 =	vmul.f32 $1.159090880e+02, v7  }
0xb6: {  	v4 =	vor.u32 v37, v12;
	v2 =	vsub.f32 v2, v36;
	v8 =	vmul.f32 $1.159090880e+02, v8  }
0xb7: {  	v1 =	vsub.f32 v1, v5;
	v38 =	vmul.f32 $1.159090880e+02, v13;
	v7 =	vadd.f32 $1.275000000e+02, v7  }
0xb8: {  	v0 =	vsub.f32 v0, v3;
	v39 =	vadd.s32 v6, v11;
	v8 =	vadd.f32 $1.275000000e+02, v8  }
0xb9: {  	[tilespmem:s21+$0x8800] =	vst v14;
	v40 =	vadd.s32 v4, v9;
	v41 =	vadd.f32 $1.275000000e+02, v38;
	v43 =	vtrunc.f32 v7  }
0xba: {  	[tilespmem:s21+$0xA800] =	vst v15;
	v4 =	vadd.s32 v4, v6;
	v44 =	vtrunc.f32 v8;
	v12 =	vcvt.f32.s32 v43  }
0xbb: {  	v42 =	vadd.s32 $0x10000, v40;
	[tilespmem:s21+$0x7800] =	vst v39;
	v45 =	vtrunc.f32 v41;
	v5 =	vcvt.f32.s32 v44  }
0xbc: {  	[tilespmem:s21+$0x8000] =	vst v40;
	v47 =	vadd.s32 $0x10000, v4;
	v11 =	vadd.s32 $0x10000, v39;
	v46 =	vcvt.f32.s32 v45  }
0xbd: {  	[tilespmem:s21+$0x7000] =	vst v4;
	v49 =	vshll.u32 v12, $0x10;
	v60 =	vcvt.s32.f32 v12;
	v50 =	vadd.s32 $0x1, v5  }
0xbe: {  	[tilespmem:s21+$0x14800] =	vst v2;
	v56 =	vshll.u32 v5, $0x3;
	v58 =	vand.u32 $0x7F, v5;
	v5 =	vcvt.s32.f32 v5  }
0xbf: {  	[tilespmem:s21+$0x15000] =	vst v1;
	v48 =	vadd.s32 $0x1, v46;
	v13 =	vshll.u32 v46, $0x8;
	v52 =	vshll.u32 v50, $0x3  }
0xc0: {  	[tilespmem:s21+$0x15800] =	vst v0;
	v6 =	vand.u32 $0x7F, v50;
	v53 =	vshll.u32 v46, $0x7;
	v3 =	vcvt.s32.f32 v46  }
0xc1: {  	[tilespmem:s21+$0xA000] =	vst v42;
	v63 =	vsub.f32 v7, v60;
	v51 =	vshll.u32 v48, $0x8;
	v4 =	vshll.u32 v48, $0x7  }
0xc2: {  	[tilespmem:s21+$0x9000] =	vst v47;
	v2 =	vand.u32 $0xFFFFFC00, v52;
	v54 =	vand.u32 $0xFFFFF800, v13;
	v59 =	vsub.f32 v8, v5  }
0xc3: {  	[tilespmem:s21+$0x9800] =	vst v11;
	v15 =	vand.u32 $0xFFFFF800, v51;
	v4 =	vand.u32 $0x380, v4;
	v2 =	vor.u32 v6, v2  }
0xc4: {  	v6 =	vand.u32 $0x380, v53;
	v61 =	vsub.f32 v41, v3;
	[tilespmem:s20+$0x15800] =	vst v63;
	v4 =	vor.u32 v4, v15  }
0xc5: {  	v1 =	vor.u32 v6, v54;
	[tilespmem:s20+$0x14800] =	vst v59;
	v4 =	vadd.s32 v49, v4  }
0xc6: {  	v0 =	vand.u32 $0xFFFFFC00, v56;
	v1 =	vadd.s32 v49, v1;
	[tilespmem:s20+$0x15000] =	vst v61;
	v55 =	vadd.s32 v2, v4  }
0xc7: {  	v0 =	vor.u32 v58, v0;
	v2 =	vadd.s32 v1, v2;
	[tilespmem:s20+$0x8800] =	vst v55  }
0xc8: {  	v4 =	vadd.s32 v0, v4;
	[tilespmem:s20+$0x7800] =	vst v2  }
0xc9: {  	v0 =	vadd.s32 v0, v1;
	[tilespmem:s20+$0x8000] =	vst v4  }
0xca: {  	v57 =	vadd.s32 $0x10000, v55;
	[tilespmem:s20+$0x7000] =	vst v0  }
0xcb: {  	v4 =	vadd.s32 $0x10000, v4;
	[tilespmem:s20+$0xA800] =	vst v57  }
0xcc: {  	v0 =	vadd.s32 $0x10000, v0;
	[tilespmem:s20+$0xA000] =	vst v4  }
0xcd: {  	v62 =	vadd.s32 $0x10000, v2;
	[tilespmem:s20+$0x9000] =	vst v0  }
0xce: {  	s22 =	simm.s32 $0x7000;
	s23 =	simm.s32 $0xF000;
	[tilespmem:s20+$0x9800] =	vst v62  }
0xcf: {  	[tilespmem:s23], [sflag:$0x2] =	stream.indirect.gather [hbm4b:s3+s16], $0x1, s22, s16, $0xb8;
	[tilespmem:$0x17000] =	vst v63  }
0xd0: {  	s22 =	simm.s32 $0x7800;
	s23 =	simm.s32 $0xF800  }
0xd1: {  	[tilespmem:s23], [sflag:$0x2] =	stream.indirect.gather [hbm4b:s3+s16], $0x1, s22, s16, $0xb8;
	[tilespmem:$0x17000] =	vst v63  }
0xd2: {  	s22 =	simm.s32 $0x8000;
	s23 =	simm.s32 $0x10000  }
0xd3: {  	[tilespmem:s23], [sflag:$0x2] =	stream.indirect.gather [hbm4b:s3+s16], $0x1, s22, s16, $0xb8;
	[tilespmem:$0x17000] =	vst v63  }
0xd4: {  	s22 =	simm.s32 $0x8800;
	s23 =	simm.s32 $0x10800  }
0xd5: {  	[tilespmem:s23], [sflag:$0x2] =	stream.indirect.gather [hbm4b:s3+s16], $0x1, s22, s16, $0xb8;
	[tilespmem:$0x17000] =	vst v63  }
0xd6: {  	s22 =	simm.s32 $0x9000;
	s23 =	simm.s32 $0x11000  }
0xd7: {  	[tilespmem:s23], [sflag:$0x2] =	stream.indirect.gather [hbm4b:s3+s16], $0x1, s22, s16, $0xb8;
	[tilespmem:$0x17000] =	vst v63  }
0xd8: {  	s22 =	simm.s32 $0x9800;
	s23 =	simm.s32 $0x11800  }
0xd9: {  	[tilespmem:s23], [sflag:$0x2] =	stream.indirect.gather [hbm4b:s3+s16], $0x1, s22, s16, $0xb8;
	[tilespmem:$0x17000] =	vst v63  }
0xda: {  	s22 =	simm.s32 $0xA000;
	s23 =	simm.s32 $0x12000  }
0xdb: {  	[tilespmem:s23], [sflag:$0x2] =	stream.indirect.gather [hbm4b:s3+s16], $0x1, s22, s16, $0xb8;
	[tilespmem:$0x17000] =	vst v63  }
0xdc: {  	s22 =	simm.s32 $0xA800;
	s23 =	simm.s32 $0x12800  }
0xdd: {  	[tilespmem:s23], [sflag:$0x2] =	stream.indirect.gather [hbm4b:s3+s16], $0x1, s22, s16, $0xb8;
	[tilespmem:$0x17000] =	vst v63  }
.LBB2_8:
0xde: {  	_ =	swait.ge [sflag:s12], $0x7D0  }
0xdf: {  	[sflag:s12] =	ssyncset.done $0x0  }
0xe0: {  	[sflag:s12] =	ssyncadd.s32 $0xFFFFF830  }
0xe1: {  	_ =	swait.ge [sflag:s12], $0x7D0  }
0xe2: {  	[sflag:s12] =	ssyncset.done $0x0  }
0xe3: {  	[sflag:s12] =	ssyncadd.s32 $0xFFFFF830  }
0xe4: {  	_ =	swait.ge [sflag:s12], $0x7D0  }
0xe5: {  	[sflag:s12] =	ssyncset.done $0x0  }
0xe6: {  	[sflag:s12] =	ssyncadd.s32 $0xFFFFF830  }
0xe7: {  	_ =	swait.ge [sflag:s12], $0x7D0  }
0xe8: {  	[sflag:s12] =	ssyncset.done $0x0  }
0xe9: {  	[sflag:s12] =	ssyncadd.s32 $0xFFFFF830  }
0xea: {  	_ =	swait.ge [sflag:s12], $0x7D0  }
0xeb: {  	[sflag:s12] =	ssyncset.done $0x0  }
0xec: {  	[sflag:s12] =	ssyncadd.s32 $0xFFFFF830  }
0xed: {  	_ =	swait.ge [sflag:s12], $0x7D0  }
0xee: {  	[sflag:s12] =	ssyncset.done $0x0  }
0xef: {  	[sflag:s12] =	ssyncadd.s32 $0xFFFFF830  }
0xf0: {  	_ =	swait.ge [sflag:s12], $0x7D0  }
0xf1: {  	[sflag:s12] =	ssyncset.done $0x0  }
0xf2: {  	[sflag:s12] =	ssyncadd.s32 $0xFFFFF830  }
0xf3: {  	_ =	swait.ge [sflag:s12], $0x7D0  }
0xf4: {  	[sflag:s12] =	ssyncset.done $0x0  }
0xf5: {  	s21 =	simm.s32 $0x0;
	[sflag:s12] =	ssyncadd.s32 $0xFFFFF830  }
0xf6: {  	v0 =	vld [tilespmem:s21+$0xB000]  }
0xf7: {  	v1 =	vld [tilespmem:s21+$0xB800]  }
0xf8: {  	v2 =	vld [tilespmem:s21+$0xC000]  }
0xf9: {  	v3 =	vld [tilespmem:s21+$0xC800]  }
0xfa: {  	v4 =	vld [tilespmem:s21+$0xD000]  }
0xfb: {  	v5 =	vld [tilespmem:s21+$0xD800]  }
0xfc: {  	v6 =	vld [tilespmem:s21+$0xE000]  }
0xfd: {  	v7 =	vld [tilespmem:s21+$0xE800]  }
0xfe: {  	v8 =	vld [tilespmem:s21+$0x13000];
	_ =	sdelay $0x1  }
0xff: {  	s20 =	simm.s32 $0x10;
	v9 =	vld [tilespmem:s21+$0x13800]  }
0x100: {  	v10 =	vld [tilespmem:s20+$0xB000];
	v1 =	vsub.f32 v1, v0;
	v3 =	vsub.f32 v3, v2  }
0x101: {  	v11 =	vld [tilespmem:s20+$0xB800];
	v5 =	vsub.f32 v5, v4;
	v7 =	vsub.f32 v7, v6  }
0x102: {  	v12 =	vld [tilespmem:s20+$0xC000];
	v1 =	vmul.f32 v1, v8;
	v3 =	vmul.f32 v3, v8  }
0x103: {  	v13 =	vld [tilespmem:s20+$0xC800];
	v5 =	vmul.f32 v5, v8;
	v7 =	vmul.f32 v7, v8  }
0x104: {  	v14 =	vld [tilespmem:s20+$0xD000];
	v8 =	vadd.f32 v1, v0;
	v0 =	vadd.f32 v3, v2  }
0x105: {  	v2 =	vld [tilespmem:s20+$0xD800];
	v3 =	vadd.f32 v5, v4;
	v1 =	vadd.f32 v7, v6  }
0x106: {  	v15 =	vld [tilespmem:s20+$0xE000]  }
0x107: {  	v4 =	vld [tilespmem:s20+$0xE800];
	v0 =	vsub.f32 v0, v8;
	v1 =	vsub.f32 v1, v3  }
0x108: {  	v5 =	vld [tilespmem:s20+$0x13000]  }
0x109: {  	v16 =	vld [tilespmem:s21+$0x14000];
	v6 =	vmul.f32 v0, v9;
	v7 =	vmul.f32 v1, v9  }
0x10a: {  	s22 =	simm.s32 $0x20;
	v1 =	vld [tilespmem:s20+$0x13800];
	v9 =	vsub.f32 v11, v10;
	v2 =	vsub.f32 v2, v14  }
0x10b: {  	v0 =	vld [tilespmem:s22+$0xB000];
	v17 =	vadd.f32 v6, v8;
	v6 =	vadd.f32 v7, v3  }
0x10c: {  	v7 =	vsub.f32 v13, v12;
	v3 =	vld [tilespmem:s22+$0xB800];
	v8 =	vsub.f32 v4, v15  }
0x10d: {  	v4 =	vld [tilespmem:s22+$0xC000];
	v9 =	vmul.f32 v9, v5;
	v2 =	vmul.f32 v2, v5;
	v11 =	vsub.f32 v6, v17  }
0x10e: {  	v13 =	vmul.f32 v7, v5;
	v6 =	vld [tilespmem:s22+$0xC800];
	v18 =	vmul.f32 v8, v5  }
0x10f: {  	v5 =	vld [tilespmem:s22+$0xD000];
	v7 =	vadd.f32 v9, v10;
	v9 =	vadd.f32 v2, v14;
	v16 =	vmul.f32 v11, v16  }
0x110: {  	v8 =	vld [tilespmem:s22+$0xD800];
	v10 =	vadd.f32 v13, v12;
	v11 =	vadd.f32 v18, v15  }
0x111: {  	s23 =	simm.s32 $0xC0;
	v2 =	vld [tilespmem:s22+$0xE000];
	v12 =	vadd.f32 v16, v17  }
.LBB2_9:
0x112: {  	p1 =	sne.s32 s23, $0x1F00;
	v13 =	vld [tilespmem:s22+$0xE800];
	v10 =	vsub.f32 v10, v7;
	v16 =	vsub.f32 v11, v9;
	v14 =	vmov v4  }
0x113: {  	v15 =	vld [tilespmem:s22+$0x13000];
	[tilespmem:s21+$0x16000] =	vst v12;
	s21 =	smov.u32 s20;
	s20 =	smov.u32 s22  }
0x114: {  	v12 =	vld [tilespmem:s21+$0x14000];
	v4 =	vmul.f32 v10, v1;
	v10 =	vmul.f32 v16, v1;
	v11 =	vmov v5  }
0x115: {  	s22 =	sshra.s32 s23, $0x2;
	v6 =	vsub.f32 v6, v14;
	v5 =	vsub.f32 v3, v0;
	v1 =	vld [tilespmem:s20+$0x13800]  }
0x116: {  	v16 =	vld [tilespmem:s22+$0xB000];
	v17 =	vadd.f32 v4, v7;
	v7 =	vadd.f32 v10, v9  }
0x117: {  	v8 =	vsub.f32 v8, v11;
	v3 =	vld [tilespmem:s22+$0xB800];
	v9 =	vsub.f32 v13, v2  }
.Ltmp7:
0x118: {  	v4 =	vld [tilespmem:s22+$0xC000];
	v10 =	vmul.f32 v5, v15;
	v13 =	vmul.f32 v6, v15;
	v18 =	vsub.f32 v7, v17;
	(pc) =	sbr.rel @p1 .LBB2_9-.Ltmp7, $4  }
0x119: {  	v19 =	vmul.f32 v8, v15;
	v6 =	vld [tilespmem:s22+$0xC800];
	v15 =	vmul.f32 v9, v15  }
0x11a: {  	v5 =	vld [tilespmem:s22+$0xD000];
	v7 =	vadd.f32 v10, v0;
	v10 =	vadd.f32 v13, v14;
	v12 =	vmul.f32 v18, v12  }
0x11b: {  	v9 =	vadd.f32 v19, v11;
	v8 =	vld [tilespmem:s22+$0xD800];
	v11 =	vadd.f32 v15, v2;
	v0 =	vmov v16  }
0x11c: {  	s23 =	sadd.s32 $0x40, s23;
	v2 =	vld [tilespmem:s22+$0xE000];
	v12 =	vadd.f32 v12, v17  }
0x11d: {  	v13 =	vld [tilespmem:s22+$0xE800];
	v10 =	vsub.f32 v10, v7  }
0x11e: {  	v11 =	vsub.f32 v11, v9;
	v14 =	vld [tilespmem:s22+$0x13000]  }
0x11f: {  	v10 =	vmul.f32 v10, v1  }
0x120: {  	v3 =	vsub.f32 v3, v0;
	[tilespmem:s21+$0x16000] =	vst v12;
	v6 =	vsub.f32 v6, v4;
	v52 =	vmul.f32 v11, v1  }
0x121: {  	v53 =	vld [tilespmem:s20+$0x14000];
	v8 =	vsub.f32 v8, v5;
	v54 =	vadd.f32 v10, v7  }
0x122: {  	v1 =	vadd.f32 v52, v9;
	v55 =	vsub.f32 v13, v2  }
0x123: {  	v3 =	vmul.f32 v3, v14;
	v6 =	vmul.f32 v6, v14  }
0x124: {  	v8 =	vmul.f32 v8, v14;
	v1 =	vsub.f32 v1, v54;
	v9 =	vmul.f32 v55, v14  }
0x125: {  	v56 =	vld [tilespmem:s22+$0x13800];
	v57 =	vadd.f32 v3, v0;
	v58 =	vadd.f32 v6, v4  }
0x126: {  	v59 =	vadd.f32 v8, v5;
	v1 =	vmul.f32 v1, v53;
	v60 =	vadd.f32 v9, v2  }
0x127: {  	v3 =	vsub.f32 v58, v57  }
0x128: {  	v1 =	vadd.f32 v1, v54;
	v2 =	vsub.f32 v60, v59;
	_ =	sdelay $0x1  }
0x129: {  	v61 =	vmul.f32 v3, v56;
	[tilespmem:s20+$0x16000] =	vst v1;
	v2 =	vmul.f32 v2, v56  }
0x12a: {  	v62 =	vld [tilespmem:s22+$0x14000]  }
0x12b: {  	v0 =	vadd.f32 v61, v57;
	v63 =	vadd.f32 v2, v59;
	_ =	sdelay $0x1  }
0x12c: {  	v1 =	vsub.f32 v63, v0;
	_ =	sdelay $0x1  }
0x12d: {  	v1 =	vmul.f32 v1, v62;
	_ =	sdelay $0x1  }
0x12e: {  	s23 =	smul.u32 $0xFA, s19;
	v0 =	vadd.f32 v1, v0  }
0x12f: {  	p1 =	sgt.u32 s19, $0x1B3  }
.Ltmp8:
0x130: {  	s20 =	sadd.s32 s8, s23;
	[tilespmem:s22+$0x16000] =	vst v0;
	(pc) =	sbr.rel @p1 .LBB2_14-.Ltmp8, $4  }
0x131: {  	[hbm4b:s20+s4] =	stream.linear.scatter [tilespmem:s9], [sflag:$0x5], $0x7D0, $0x38;
	[tilespmem:$0x17000] =	vst v63  }
0x132: {  	_ =	swait.ge [sflag:s10], $0x7D0  }
0x133: {  	[sflag:s10] =	ssyncset.done $0x0  }
0x134: {  	[sflag:s10] =	ssyncadd.s32 $0xFFFFF830  }
0x135: {  	s19 =	smul.u32 $0x7D0, s19;
	_ =	sdelay $0x1  }
0x136: {  	s19 =	sshrl.u32 s19, $0x3  }
0x137: {  	s19 =	sadd.s32 $0x3E80, s19  }
0x138: {  	s21 =	simm.s32 $0x0;
	s20 =	sadd.s32 s6, s19  }
0x139: {  	[tilespmem:s21], [sflag:$0x3] =	stream.linear.gather [hbm4b:s20+s21], $0x7D0, $0x38;
	[tilespmem:$0x17000] =	vst v63  }
0x13a: {  	s22 =	simm.s32 $0x800;
	s23 =	sadd.s32 s7, s19  }
0x13b: {  	[tilespmem:s22], [sflag:$0x3] =	stream.linear.gather [hbm4b:s23+s21], $0x7D0, $0x38;
	[tilespmem:$0x17000] =	vst v63  }
0x13c: {  	s19 =	sadd.s32 s1, s19;
	s23 =	simm.s32 $0x1000  }
0x13d: {  	[tilespmem:s23], [sflag:$0x3] =	stream.linear.gather [hbm4b:s19+s21], $0x7D0, $0x38;
	[tilespmem:$0x17000] =	vst v63  }
0x13e: {  	_ =	swait.ge [sflag:s15], $0x7D0  }
0x13f: {  	[sflag:s15] =	ssyncset.done $0x0  }
0x140: {  	[sflag:s15] =	ssyncadd.s32 $0xFFFFF830  }
0x141: {  	_ =	swait.ge [sflag:s15], $0x7D0  }
0x142: {  	[sflag:s15] =	ssyncset.done $0x0  }
0x143: {  	[sflag:s15] =	ssyncadd.s32 $0xFFFFF830  }
0x144: {  	_ =	swait.ge [sflag:s15], $0x7D0  }
0x145: {  	[sflag:s15] =	ssyncset.done $0x0  }
0x146: {  	s20 =	simm.s32 $0x0;
	[sflag:s15] =	ssyncadd.s32 $0xFFFFF830  }
0x147: {  	v0 =	vld [tilespmem:s20+$0x0]  }
0x148: {  	v1 =	vld [tilespmem:s20+$0x1000]  }
0x149: {  	v2 =	vld [tilespmem:s20+$0x800];
	_ =	sdelay $0x3  }
0x14a: {  	v0 =	vmul.f32 $1.159090880e+02, v0  }
0x14b: {  	v1 =	vmul.f32 $1.159090880e+02, v1;
	v3 =	vmul.f32 $1.159090880e+02, v2  }
0x14c: {  	v0 =	vadd.f32 $1.275000000e+02, v0  }
0x14d: {  	v2 =	vadd.f32 $1.275000000e+02, v1;
	v1 =	vadd.f32 $1.275000000e+02, v3  }
0x14e: {  	v3 =	vtrunc.f32 v0  }
0x14f: {  	v4 =	vtrunc.f32 v2;
	v5 =	vtrunc.f32 v1  }
0x150: {  	v5 =	vcvt.f32.s32 v5;
	v3 =	vcvt.f32.s32 v3  }
0x151: {  	v4 =	vcvt.f32.s32 v4  }
0x152: {  	v7 =	vadd.s32 $0x1, v5;
	v10 =	vshll.u32 v5, $0x8;
	v6 =	vshll.u32 v3, $0x10  }
0x153: {  	v8 =	vadd.s32 $0x1, v4;
	v9 =	vshll.u32 v7, $0x8;
	v7 =	vshll.u32 v7, $0x7  }
0x154: {  	s19 =	simm.s32 $0x10;
	v11 =	vshll.u32 v8, $0x3;
	v9 =	vand.u32 $0xFFFFF800, v9;
	v12 =	vand.u32 $0x380, v7  }
0x155: {  	v13 =	vand.u32 $0x7F, v8;
	v8 =	vld [tilespmem:s19+$0x1000];
	v11 =	vand.u32 $0xFFFFFC00, v11;
	v9 =	vor.u32 v12, v9  }
0x156: {  	s21 =	simm.s32 $0x80;
	v7 =	vld [tilespmem:s19+$0x0];
	v11 =	vor.u32 v13, v11;
	v12 =	vshll.u32 v5, $0x7;
	v9 =	vadd.s32 v6, v9  }
.LBB2_12:
0x157: {  	p0 =	sne.s32 s21, $0x1F00;
	v13 =	vld [tilespmem:s19+$0x800];
	v10 =	vand.u32 $0xFFFFF800, v10;
	v12 =	vand.u32 $0x380, v12;
	v14 =	vadd.s32 v11, v9  }
0x158: {  	v15 =	vshll.u32 v4, $0x3;
	v10 =	vor.u32 v12, v10;
	[tilespmem:s20+$0x4800] =	vst v14;
	v12 =	vadd.s32 $0x10000, v14  }
0x159: {  	v5 =	vcvt.s32.f32 v5;
	v14 =	vcvt.s32.f32 v4;
	v15 =	vand.u32 $0xFFFFFC00, v15;
	[tilespmem:s20+$0x6800] =	vst v12  }
0x15a: {  	v3 =	vcvt.s32.f32 v3;
	v4 =	vand.u32 $0x7F, v4;
	v6 =	vadd.s32 v6, v10  }
0x15b: {  	v4 =	vor.u32 v4, v15;
	v7 =	vmul.f32 $1.159090880e+02, v7;
	v10 =	vadd.s32 v6, v11  }
0x15c: {  	v9 =	vadd.s32 v4, v9;
	v8 =	vmul.f32 $1.159090880e+02, v8;
	v11 =	vmul.f32 $1.159090880e+02, v13;
	[tilespmem:s20+$0x3800] =	vst v10  }
0x15d: {  	v12 =	vsub.f32 v2, v14;
	v4 =	vadd.s32 v4, v6;
	v7 =	vadd.f32 $1.275000000e+02, v7;
	[tilespmem:s20+$0x4000] =	vst v9  }
0x15e: {  	v2 =	vadd.f32 $1.275000000e+02, v8;
	v8 =	vadd.s32 $0x10000, v9;
	v6 =	vadd.f32 $1.275000000e+02, v11;
	[tilespmem:s20+$0x3000] =	vst v4  }
0x15f: {  	v13 =	vsub.f32 v0, v3;
	v9 =	vtrunc.f32 v7;
	v11 =	vsub.f32 v1, v5;
	v0 =	vmovc v7;
	[tilespmem:s20+$0x6000] =	vst v8  }
0x160: {  	v4 =	vadd.s32 $0x10000, v4;
	v7 =	vtrunc.f32 v2;
	v3 =	vtrunc.f32 v6;
	[tilespmem:s20+$0x13000] =	vst v12;
	v1 =	vmovc v6  }
0x161: {  	v6 =	vadd.s32 $0x10000, v10;
	v5 =	vcvt.f32.s32 v3;
	v3 =	vcvt.f32.s32 v9;
	[tilespmem:s20+$0x5000] =	vst v4  }
0x162: {  	v4 =	vcvt.f32.s32 v7;
	[tilespmem:s20+$0x5800] =	vst v6  }
.Ltmp9:
0x163: {  	v7 =	vadd.s32 $0x1, v5;
	v10 =	vshll.u32 v5, $0x8;
	v6 =	vshll.u32 v3, $0x10;
	[tilespmem:s20+$0x13800] =	vst v11;
	(pc) =	sbr.rel @p0 .LBB2_12-.Ltmp9, $4  }
0x164: {  	v8 =	vadd.s32 $0x1, v4;
	v9 =	vshll.u32 v7, $0x8;
	v7 =	vshll.u32 v7, $0x7;
	[tilespmem:s20+$0x14000] =	vst v13;
	s20 =	smov.u32 s19  }
0x165: {  	s19 =	sshra.s32 s21, $0x2;
	v11 =	vshll.u32 v8, $0x3;
	v9 =	vand.u32 $0xFFFFF800, v9;
	v12 =	vand.u32 $0x380, v7  }
0x166: {  	v13 =	vand.u32 $0x7F, v8;
	v11 =	vand.u32 $0xFFFFFC00, v11;
	v7 =	vld [tilespmem:s19+$0x0];
	v9 =	vor.u32 v12, v9  }
0x167: {  	s21 =	sadd.s32 $0x40, s21;
	v11 =	vor.u32 v13, v11;
	v12 =	vshll.u32 v5, $0x7;
	v8 =	vld [tilespmem:s19+$0x1000];
	v9 =	vadd.s32 v6, v9  }
0x168: {  	v10 =	vand.u32 $0xFFFFF800, v10  }
0x169: {  	v13 =	vld [tilespmem:s19+$0x800];
	v12 =	vand.u32 $0x380, v12;
	v14 =	vadd.s32 v11, v9;
	v36 =	vcvt.s32.f32 v4  }
0x16a: {  	v35 =	vshll.u32 v4, $0x3;
	v5 =	vcvt.s32.f32 v5;
	v3 =	vcvt.s32.f32 v3  }
0x16b: {  	v37 =	vand.u32 $0x7F, v4;
	v10 =	vor.u32 v12, v10;
	v15 =	vadd.s32 $0x10000, v14  }
0x16c: {  	v12 =	vand.u32 $0xFFFFFC00, v35;
	v6 =	vadd.s32 v6, v10;
	v7 =	vmul.f32 $1.159090880e+02, v7  }
0x16d: {  	v4 =	vor.u32 v37, v12;
	v2 =	vsub.f32 v2, v36;
	v8 =	vmul.f32 $1.159090880e+02, v8  }
0x16e: {  	v1 =	vsub.f32 v1, v5;
	v38 =	vmul.f32 $1.159090880e+02, v13;
	v7 =	vadd.f32 $1.275000000e+02, v7  }
0x16f: {  	v0 =	vsub.f32 v0, v3;
	v39 =	vadd.s32 v6, v11;
	v8 =	vadd.f32 $1.275000000e+02, v8  }
0x170: {  	[tilespmem:s20+$0x4800] =	vst v14;
	v40 =	vadd.s32 v4, v9;
	v41 =	vadd.f32 $1.275000000e+02, v38;
	v43 =	vtrunc.f32 v7  }
0x171: {  	[tilespmem:s20+$0x6800] =	vst v15;
	v4 =	vadd.s32 v4, v6;
	v44 =	vtrunc.f32 v8;
	v12 =	vcvt.f32.s32 v43  }
0x172: {  	v42 =	vadd.s32 $0x10000, v40;
	[tilespmem:s20+$0x3800] =	vst v39;
	v45 =	vtrunc.f32 v41;
	v5 =	vcvt.f32.s32 v44  }
0x173: {  	[tilespmem:s20+$0x4000] =	vst v40;
	v47 =	vadd.s32 $0x10000, v4;
	v11 =	vadd.s32 $0x10000, v39;
	v46 =	vcvt.f32.s32 v45  }
0x174: {  	[tilespmem:s20+$0x3000] =	vst v4;
	v49 =	vshll.u32 v12, $0x10;
	v60 =	vcvt.s32.f32 v12;
	v50 =	vadd.s32 $0x1, v5  }
0x175: {  	[tilespmem:s20+$0x13000] =	vst v2;
	v56 =	vshll.u32 v5, $0x3;
	v58 =	vand.u32 $0x7F, v5;
	v5 =	vcvt.s32.f32 v5  }
0x176: {  	[tilespmem:s20+$0x13800] =	vst v1;
	v48 =	vadd.s32 $0x1, v46;
	v13 =	vshll.u32 v46, $0x8;
	v52 =	vshll.u32 v50, $0x3  }
0x177: {  	[tilespmem:s20+$0x14000] =	vst v0;
	v6 =	vand.u32 $0x7F, v50;
	v53 =	vshll.u32 v46, $0x7;
	v3 =	vcvt.s32.f32 v46  }
0x178: {  	[tilespmem:s20+$0x6000] =	vst v42;
	v63 =	vsub.f32 v7, v60;
	v51 =	vshll.u32 v48, $0x8;
	v4 =	vshll.u32 v48, $0x7  }
0x179: {  	[tilespmem:s20+$0x5000] =	vst v47;
	v2 =	vand.u32 $0xFFFFFC00, v52;
	v54 =	vand.u32 $0xFFFFF800, v13;
	v59 =	vsub.f32 v8, v5  }
0x17a: {  	[tilespmem:s20+$0x5800] =	vst v11;
	v15 =	vand.u32 $0xFFFFF800, v51;
	v4 =	vand.u32 $0x380, v4;
	v2 =	vor.u32 v6, v2  }
0x17b: {  	v6 =	vand.u32 $0x380, v53;
	v61 =	vsub.f32 v41, v3;
	[tilespmem:s19+$0x14000] =	vst v63;
	v4 =	vor.u32 v4, v15  }
0x17c: {  	v1 =	vor.u32 v6, v54;
	[tilespmem:s19+$0x13000] =	vst v59;
	v4 =	vadd.s32 v49, v4  }
0x17d: {  	v0 =	vand.u32 $0xFFFFFC00, v56;
	v1 =	vadd.s32 v49, v1;
	[tilespmem:s19+$0x13800] =	vst v61;
	v55 =	vadd.s32 v2, v4  }
0x17e: {  	v0 =	vor.u32 v58, v0;
	v2 =	vadd.s32 v1, v2;
	[tilespmem:s19+$0x4800] =	vst v55  }
0x17f: {  	v4 =	vadd.s32 v0, v4;
	[tilespmem:s19+$0x3800] =	vst v2  }
0x180: {  	v0 =	vadd.s32 v0, v1;
	[tilespmem:s19+$0x4000] =	vst v4  }
0x181: {  	v57 =	vadd.s32 $0x10000, v55;
	[tilespmem:s19+$0x3000] =	vst v0  }
0x182: {  	v4 =	vadd.s32 $0x10000, v4;
	[tilespmem:s19+$0x6800] =	vst v57  }
0x183: {  	v0 =	vadd.s32 $0x10000, v0;
	[tilespmem:s19+$0x6000] =	vst v4  }
0x184: {  	v62 =	vadd.s32 $0x10000, v2;
	[tilespmem:s19+$0x5000] =	vst v0  }
0x185: {  	s21 =	simm.s32 $0xB000;
	s20 =	simm.s32 $0x3000;
	[tilespmem:s19+$0x5800] =	vst v62  }
0x186: {  	[tilespmem:s21], [sflag:$0x1] =	stream.indirect.gather [hbm4b:s3+s16], $0x1, s20, s16, $0xb8;
	[tilespmem:$0x17000] =	vst v63  }
0x187: {  	s22 =	simm.s32 $0x3800;
	s23 =	simm.s32 $0xB800  }
0x188: {  	[tilespmem:s23], [sflag:$0x1] =	stream.indirect.gather [hbm4b:s3+s16], $0x1, s22, s16, $0xb8;
	[tilespmem:$0x17000] =	vst v63  }
0x189: {  	s21 =	simm.s32 $0x4000;
	s22 =	simm.s32 $0xC000  }
0x18a: {  	[tilespmem:s22], [sflag:$0x1] =	stream.indirect.gather [hbm4b:s3+s16], $0x1, s21, s16, $0xb8;
	[tilespmem:$0x17000] =	vst v63  }
0x18b: {  	s23 =	simm.s32 $0x4800  }
0x18c: {  	[tilespmem:s24], [sflag:$0x1] =	stream.indirect.gather [hbm4b:s3+s16], $0x1, s23, s16, $0xb8;
	[tilespmem:$0x17000] =	vst v63  }
0x18d: {  	_ = 	snop  }
0x18e: {  	[tilespmem:s26], [sflag:$0x1] =	stream.indirect.gather [hbm4b:s3+s16], $0x1, s25, s16, $0xb8;
	[tilespmem:$0x17000] =	vst v63  }
0x18f: {  	_ = 	snop  }
0x190: {  	[tilespmem:s29], [sflag:$0x1] =	stream.indirect.gather [hbm4b:s3+s16], $0x1, s28, s16, $0xb8;
	[tilespmem:$0x17000] =	vst v63  }
.Ltmp10:
0x191: {  	_ = 	snop;
	(pc) =	sbr.rel .LBB2_15-.Ltmp10, $4  }
0x192: {  	_ = 	snop  }
0x193: {  	[tilespmem:s31], [sflag:$0x1] =	stream.indirect.gather [hbm4b:s3+s16], $0x1, s30, s16, $0xb8;
	[tilespmem:$0x17000] =	vst v63  }
0x194: {  	_ = 	snop  }
0x195: {  	[tilespmem:s2], [sflag:$0x1] =	stream.indirect.gather [hbm4b:s3+s16], $0x1, s0, s16, $0xb8;
	[tilespmem:$0x17000] =	vst v63  }
.LBB2_14:
.Ltmp11:
0x196: {  	(pc) =	sbr.rel @p0 .LBB2_18-.Ltmp11, $1  }
0x197: {  	_ =	sdelay $0x3  }
.LBB2_15:
0x198: {  	_ =	swait.ge [sflag:s11], $0x7D0  }
0x199: {  	[sflag:s11] =	ssyncset.done $0x0  }
0x19a: {  	[sflag:s11] =	ssyncadd.s32 $0xFFFFF830  }
0x19b: {  	_ =	swait.ge [sflag:s11], $0x7D0  }
0x19c: {  	[sflag:s11] =	ssyncset.done $0x0  }
0x19d: {  	[sflag:s11] =	ssyncadd.s32 $0xFFFFF830  }
0x19e: {  	_ =	swait.ge [sflag:s11], $0x7D0  }
0x19f: {  	[sflag:s11] =	ssyncset.done $0x0  }
0x1a0: {  	[sflag:s11] =	ssyncadd.s32 $0xFFFFF830  }
0x1a1: {  	_ =	swait.ge [sflag:s11], $0x7D0  }
0x1a2: {  	[sflag:s11] =	ssyncset.done $0x0  }
0x1a3: {  	[sflag:s11] =	ssyncadd.s32 $0xFFFFF830  }
0x1a4: {  	_ =	swait.ge [sflag:s11], $0x7D0  }
0x1a5: {  	[sflag:s11] =	ssyncset.done $0x0  }
0x1a6: {  	[sflag:s11] =	ssyncadd.s32 $0xFFFFF830  }
0x1a7: {  	_ =	swait.ge [sflag:s11], $0x7D0  }
0x1a8: {  	[sflag:s11] =	ssyncset.done $0x0  }
0x1a9: {  	[sflag:s11] =	ssyncadd.s32 $0xFFFFF830  }
0x1aa: {  	_ =	swait.ge [sflag:s11], $0x7D0  }
0x1ab: {  	[sflag:s11] =	ssyncset.done $0x0  }
0x1ac: {  	[sflag:s11] =	ssyncadd.s32 $0xFFFFF830  }
0x1ad: {  	_ =	swait.ge [sflag:s11], $0x7D0  }
0x1ae: {  	[sflag:s11] =	ssyncset.done $0x0  }
0x1af: {  	s20 =	simm.s32 $0x0;
	[sflag:s11] =	ssyncadd.s32 $0xFFFFF830  }
0x1b0: {  	v0 =	vld [tilespmem:s20+$0xF000]  }
0x1b1: {  	v1 =	vld [tilespmem:s20+$0xF800]  }
0x1b2: {  	v2 =	vld [tilespmem:s20+$0x10000]  }
0x1b3: {  	v3 =	vld [tilespmem:s20+$0x10800]  }
0x1b4: {  	v4 =	vld [tilespmem:s20+$0x11000]  }
0x1b5: {  	v5 =	vld [tilespmem:s20+$0x11800]  }
0x1b6: {  	v6 =	vld [tilespmem:s20+$0x12000]  }
0x1b7: {  	v7 =	vld [tilespmem:s20+$0x12800]  }
0x1b8: {  	v8 =	vld [tilespmem:s20+$0x14800];
	_ =	sdelay $0x1  }
0x1b9: {  	s19 =	simm.s32 $0x10;
	v9 =	vld [tilespmem:s20+$0x15000]  }
0x1ba: {  	v10 =	vld [tilespmem:s19+$0xF000];
	v1 =	vsub.f32 v1, v0;
	v3 =	vsub.f32 v3, v2  }
0x1bb: {  	v11 =	vld [tilespmem:s19+$0xF800];
	v5 =	vsub.f32 v5, v4;
	v7 =	vsub.f32 v7, v6  }
0x1bc: {  	v12 =	vld [tilespmem:s19+$0x10000];
	v1 =	vmul.f32 v1, v8;
	v3 =	vmul.f32 v3, v8  }
0x1bd: {  	v13 =	vld [tilespmem:s19+$0x10800];
	v5 =	vmul.f32 v5, v8;
	v7 =	vmul.f32 v7, v8  }
0x1be: {  	v14 =	vld [tilespmem:s19+$0x11000];
	v8 =	vadd.f32 v1, v0;
	v0 =	vadd.f32 v3, v2  }
0x1bf: {  	v2 =	vld [tilespmem:s19+$0x11800];
	v3 =	vadd.f32 v5, v4;
	v1 =	vadd.f32 v7, v6  }
0x1c0: {  	v15 =	vld [tilespmem:s19+$0x12000]  }
0x1c1: {  	v4 =	vld [tilespmem:s19+$0x12800];
	v0 =	vsub.f32 v0, v8;
	v1 =	vsub.f32 v1, v3  }
0x1c2: {  	v5 =	vld [tilespmem:s19+$0x14800]  }
0x1c3: {  	v16 =	vld [tilespmem:s20+$0x15800];
	v6 =	vmul.f32 v0, v9;
	v7 =	vmul.f32 v1, v9  }
0x1c4: {  	s21 =	simm.s32 $0x20;
	v1 =	vld [tilespmem:s19+$0x15000];
	v9 =	vsub.f32 v11, v10;
	v2 =	vsub.f32 v2, v14  }
0x1c5: {  	v0 =	vld [tilespmem:s21+$0xF000];
	v17 =	vadd.f32 v6, v8;
	v6 =	vadd.f32 v7, v3  }
0x1c6: {  	v7 =	vsub.f32 v13, v12;
	v3 =	vld [tilespmem:s21+$0xF800];
	v8 =	vsub.f32 v4, v15  }
0x1c7: {  	v4 =	vld [tilespmem:s21+$0x10000];
	v9 =	vmul.f32 v9, v5;
	v2 =	vmul.f32 v2, v5;
	v11 =	vsub.f32 v6, v17  }
0x1c8: {  	v13 =	vmul.f32 v7, v5;
	v6 =	vld [tilespmem:s21+$0x10800];
	v18 =	vmul.f32 v8, v5  }
0x1c9: {  	v5 =	vld [tilespmem:s21+$0x11000];
	v7 =	vadd.f32 v9, v10;
	v9 =	vadd.f32 v2, v14;
	v16 =	vmul.f32 v11, v16  }
0x1ca: {  	v8 =	vld [tilespmem:s21+$0x11800];
	v10 =	vadd.f32 v13, v12;
	v11 =	vadd.f32 v18, v15  }
0x1cb: {  	s22 =	simm.s32 $0xC0;
	v2 =	vld [tilespmem:s21+$0x12000];
	v12 =	vadd.f32 v16, v17  }
.LBB2_16:
0x1cc: {  	p0 =	sne.s32 s22, $0x1F00;
	v13 =	vld [tilespmem:s21+$0x12800];
	v10 =	vsub.f32 v10, v7;
	v16 =	vsub.f32 v11, v9;
	v14 =	vmov v4  }
0x1cd: {  	v15 =	vld [tilespmem:s21+$0x14800];
	[tilespmem:s20+$0x16800] =	vst v12;
	s20 =	smov.u32 s19;
	s19 =	smov.u32 s21  }
0x1ce: {  	v12 =	vld [tilespmem:s20+$0x15800];
	v4 =	vmul.f32 v10, v1;
	v10 =	vmul.f32 v16, v1;
	v11 =	vmov v5  }
0x1cf: {  	s21 =	sshra.s32 s22, $0x2;
	v6 =	vsub.f32 v6, v14;
	v5 =	vsub.f32 v3, v0;
	v1 =	vld [tilespmem:s19+$0x15000]  }
0x1d0: {  	v16 =	vld [tilespmem:s21+$0xF000];
	v17 =	vadd.f32 v4, v7;
	v7 =	vadd.f32 v10, v9  }
0x1d1: {  	v8 =	vsub.f32 v8, v11;
	v3 =	vld [tilespmem:s21+$0xF800];
	v9 =	vsub.f32 v13, v2  }
.Ltmp12:
0x1d2: {  	v4 =	vld [tilespmem:s21+$0x10000];
	v10 =	vmul.f32 v5, v15;
	v13 =	vmul.f32 v6, v15;
	v18 =	vsub.f32 v7, v17;
	(pc) =	sbr.rel @p0 .LBB2_16-.Ltmp12, $4  }
0x1d3: {  	v19 =	vmul.f32 v8, v15;
	v6 =	vld [tilespmem:s21+$0x10800];
	v15 =	vmul.f32 v9, v15  }
0x1d4: {  	v5 =	vld [tilespmem:s21+$0x11000];
	v7 =	vadd.f32 v10, v0;
	v10 =	vadd.f32 v13, v14;
	v12 =	vmul.f32 v18, v12  }
0x1d5: {  	v9 =	vadd.f32 v19, v11;
	v8 =	vld [tilespmem:s21+$0x11800];
	v11 =	vadd.f32 v15, v2;
	v0 =	vmov v16  }
0x1d6: {  	s22 =	sadd.s32 $0x40, s22;
	v2 =	vld [tilespmem:s21+$0x12000];
	v12 =	vadd.f32 v12, v17  }
0x1d7: {  	v13 =	vld [tilespmem:s21+$0x12800];
	v10 =	vsub.f32 v10, v7  }
0x1d8: {  	v11 =	vsub.f32 v11, v9;
	v14 =	vld [tilespmem:s21+$0x14800]  }
0x1d9: {  	v10 =	vmul.f32 v10, v1  }
0x1da: {  	v3 =	vsub.f32 v3, v0;
	[tilespmem:s20+$0x16800] =	vst v12;
	v6 =	vsub.f32 v6, v4;
	v52 =	vmul.f32 v11, v1  }
0x1db: {  	v53 =	vld [tilespmem:s19+$0x15800];
	v8 =	vsub.f32 v8, v5;
	v54 =	vadd.f32 v10, v7  }
0x1dc: {  	v1 =	vadd.f32 v52, v9;
	v55 =	vsub.f32 v13, v2  }
0x1dd: {  	v3 =	vmul.f32 v3, v14;
	v6 =	vmul.f32 v6, v14  }
0x1de: {  	v8 =	vmul.f32 v8, v14;
	v1 =	vsub.f32 v1, v54;
	v9 =	vmul.f32 v55, v14  }
0x1df: {  	v56 =	vld [tilespmem:s21+$0x15000];
	v57 =	vadd.f32 v3, v0;
	v58 =	vadd.f32 v6, v4  }
0x1e0: {  	v59 =	vadd.f32 v8, v5;
	v1 =	vmul.f32 v1, v53;
	v60 =	vadd.f32 v9, v2  }
0x1e1: {  	v3 =	vsub.f32 v58, v57  }
0x1e2: {  	v1 =	vadd.f32 v1, v54;
	v2 =	vsub.f32 v60, v59;
	_ =	sdelay $0x1  }
0x1e3: {  	v61 =	vmul.f32 v3, v56;
	[tilespmem:s19+$0x16800] =	vst v1;
	v2 =	vmul.f32 v2, v56  }
0x1e4: {  	v62 =	vld [tilespmem:s21+$0x15800]  }
0x1e5: {  	v0 =	vadd.f32 v61, v57;
	v63 =	vadd.f32 v2, v59;
	_ =	sdelay $0x1  }
0x1e6: {  	v1 =	vsub.f32 v63, v0;
	_ =	sdelay $0x1  }
0x1e7: {  	v1 =	vmul.f32 v1, v62;
	_ =	sdelay $0x1  }
0x1e8: {  	v0 =	vadd.f32 v1, v0;
	_ =	sdelay $0x1  }
.Ltmp13:
0x1e9: {  	s18 =	sadd.s32 s8, s18;
	[tilespmem:s21+$0x16800] =	vst v0;
	(pc) =	sbr.rel .LBB2_18-.Ltmp13, $4  }
0x1ea: {  	[hbm4b:s18+s4] =	stream.linear.scatter [tilespmem:s13], [sflag:$0x4], $0x7D0, $0x38;
	[tilespmem:$0x17000] =	vst v63  }
0x1eb: {  	_ =	swait.ge [sflag:s14], $0x7D0  }
0x1ec: {  	[sflag:s14] =	ssyncset.done $0x0  }
0x1ed: {  	[sflag:s14] =	ssyncadd.s32 $0xFFFFF830  }
.LBB2_20:
0x1ee: {  	_ =	sfence.sel $0x180000  }
0x1ef: {  	[bflag:$0x0] =	sbarrier.arrive $0xFFFF  }
0x1f0: {  	_ =	strace $0x90000047  }
0x1f1: {  	s0 =	stileid.u32;
	[bflag:$0x2] =	sbarrier.arrive $0xFFFF  }
0x1f2: {  	p0 =	sne.s32 s0, $0x0;
	s0 =	rddreg [dreg:$0x2]  }
0x1f3: {  	s0 =	sadd.s32 @!p0 $0x100000, s0  }
0x1f4: {  	[sflag:s0] =	ssyncadd.tile.s32 @!p0 $0x1;
	_ =	shalt  }
.Lfunc_end2:
_tile_overlayer_lowered:
.L_overlay_start_2:
0x1f5: {  	(tag) =	ssettag $0x2  }
0x1f6: {  	s0 =	rddreg [dreg:$0x0];
	s2 =	stileid.u32  }
0x1f7: {  	s1 =	rddreg [dreg:$0x1];
	p0 =	sne.s32 s2, $0x0  }
0x1f8: {  	s3 =	rddreg [dreg:$0x2];
	[bflag:$0x3] =	sbarrier.arrive $0xFFFF;
	s2 =	simm.s32 @!p0 $0x1C04  }
0x1f9: {  	[timem:s3], [sflag:s2] =	dma.local @!p0 [hbm:s0], s1  }
0x1fa: {  	s0 =	simm.s32 @!p0 $0x4  }
0x1fb: {  	_ =	swait.ge @!p0 [sflag:s0], s1  }
0x1fc: {  	s1 =	ssub.s32 @!p0 $0x0, s1;
	[sflag:s0] =	ssyncset.done @!p0 $0x0  }
0x1fd: {  	[sflag:s0] =	ssyncadd.s32 @!p0 s1  }
0x1fe: {  	[bflag:$0x3] =	sbarrier.arrive $0xFFFF  }
0x1ff: {  	_ =	shalt  }

</sc_bundles>
